<compile_context>
chip_gen: v7x
topology: tpu7x:2x2x1
jax: 0.10.2.dev20260603
libtpu: 0.0.44.dev20260713+nightly
codegen_flags: <defaults>
</compile_context>

<pallas_src>
import functools

import jax
import jax.numpy as jnp
from jax import lax
from jax.experimental import pallas as pl
from jax.experimental.pallas import tpu as pltpu
from jax.experimental.pallas import tpu_sc as plsc

N = 10000
E = 320000
D = 128
H = 128
C = 40

NC = 2
NS = 16
NW = NC * NS
EPW = E // NW
CHUNK = 125
NCHUNK = EPW // CHUNK
HC = NCHUNK // 2
ROWS_PS = 640
NPAD = NS * ROWS_PS
DEGW = 128

_mesh = plsc.VectorSubcoreMesh(core_axis_name="c", subcore_axis_name="s")


def _seg_sum_body(h_hbm, src_hbm, dst_hbm, zf_hbm, agg_hbm, agg_sh,
                  src_idx, dst_idx, rows0, rows1, sem0, sem1):
    c = lax.axis_index("c")
    s = lax.axis_index("s")
    wid = c * NS + s

    r0 = s * ROWS_PS
    pltpu.sync_copy(zf_hbm, agg_sh.at[pl.ds(r0, ROWS_PS)])
    plsc.subcore_barrier()

    def gather(i, buf, sem):
        pltpu.async_copy(h_hbm.at[src_idx.at[i]], buf, sem)

    def gather_wait(i, buf, sem):
        pltpu.make_async_copy(h_hbm.at[src_idx.at[i]], buf, sem).wait()

    def scat(i, buf):
        pltpu.sync_copy(buf, agg_sh.at[dst_idx.at[i]], add=True)

    for h in range(2):
        pltpu.sync_copy(src_hbm.at[wid, pl.ds(h * HC, HC)], src_idx)
        pltpu.sync_copy(dst_hbm.at[wid, pl.ds(h * HC, HC)], dst_idx)
        gather(0, rows0, sem0)

        @pl.loop(0, HC // 2 - 1)
        def _(j):
            i = 2 * j
            gather(i + 1, rows1, sem1)
            gather_wait(i, rows0, sem0)
            scat(i, rows0)
            gather(i + 2, rows0, sem0)
            gather_wait(i + 1, rows1, sem1)
            scat(i + 1, rows1)

        gather(HC - 1, rows1, sem1)
        gather_wait(HC - 2, rows0, sem0)
        scat(HC - 2, rows0)
        gather_wait(HC - 1, rows1, sem1)
        scat(HC - 1, rows1)

    plsc.subcore_barrier()
    pltpu.sync_copy(agg_sh.at[pl.ds(r0, ROWS_PS)],
                    agg_hbm.at[c, pl.ds(r0, ROWS_PS)])


def _deg_body(dst_hbm, zd_hbm, ones_hbm, deg_hbm, deg_sh, dst_idx, ones_v):
    c = lax.axis_index("c")
    s = lax.axis_index("s")
    wid = c * NS + s
    r0 = s * ROWS_PS
    pltpu.sync_copy(zd_hbm, deg_sh.at[pl.ds(r0, ROWS_PS)])
    pltpu.sync_copy(ones_hbm, ones_v)
    pltpu.sync_copy(dst_hbm.at[wid], dst_idx)
    plsc.subcore_barrier()

    @pl.loop(0, NCHUNK)
    def _(i):
        pltpu.sync_copy(ones_v, deg_sh.at[dst_idx.at[i]], add=True)

    plsc.subcore_barrier()
    pltpu.sync_copy(deg_sh.at[pl.ds(r0, ROWS_PS)],
                    deg_hbm.at[c, pl.ds(r0, ROWS_PS)])


_seg_sum = pl.kernel(
    _seg_sum_body,
    out_type=jax.ShapeDtypeStruct((NC, NPAD, D), jnp.float32),
    mesh=_mesh,
    scratch_types=[
        pltpu.VMEM_SHARED((NPAD, D), jnp.float32),
        pltpu.VMEM((HC, CHUNK), jnp.int32),
        pltpu.VMEM((HC, CHUNK), jnp.int32),
        pltpu.VMEM((CHUNK, D), jnp.float32),
        pltpu.VMEM((CHUNK, D), jnp.float32),
        pltpu.SemaphoreType.DMA,
        pltpu.SemaphoreType.DMA,
    ],
)

_deg_count = pl.kernel(
    _deg_body,
    out_type=jax.ShapeDtypeStruct((NC, NPAD, DEGW), jnp.float32),
    mesh=_mesh,
    scratch_types=[
        pltpu.VMEM_SHARED((NPAD, DEGW), jnp.float32),
        pltpu.VMEM((NCHUNK, CHUNK), jnp.int32),
        pltpu.VMEM((CHUNK, DEGW), jnp.float32),
    ],
)


BN = 1000


def _layer_body(out_w, h_ref, aggp_ref, degp_ref, ws_ref, wn_ref, b_ref,
                wfc_ref, bfc_ref, out_ref):
    agg = aggp_ref[0] + aggp_ref[1]
    deg = degp_ref[0, :, 0] + degp_ref[1, :, 0]
    neigh = agg * (1.0 / jnp.maximum(deg, 1.0))[:, None]
    hh = (jnp.dot(h_ref[...], ws_ref[...], preferred_element_type=jnp.float32)
          + jnp.dot(neigh, wn_ref[...], preferred_element_type=jnp.float32)
          + b_ref[...])
    hh = jnp.maximum(hh, 0.0)
    if out_w is None:
        out_ref[...] = hh
    else:
        out_ref[...] = (jnp.dot(hh, wfc_ref[...],
                                preferred_element_type=jnp.float32)
                        + bfc_ref[...])


def _make_layer(out_w):
    specs = [
        pl.BlockSpec((BN, D), lambda i: (i, 0)),
        pl.BlockSpec((NC, BN, D), lambda i: (0, i, 0)),
        pl.BlockSpec((NC, BN, DEGW), lambda i: (0, i, 0)),
        pl.BlockSpec((D, H), lambda i: (0, 0)),
        pl.BlockSpec((D, H), lambda i: (0, 0)),
        pl.BlockSpec((1, H), lambda i: (0, 0)),
        pl.BlockSpec((H, C), lambda i: (0, 0)),
        pl.BlockSpec((1, C), lambda i: (0, 0)),
    ]
    width = H if out_w is None else out_w
    return pl.pallas_call(
        functools.partial(_layer_body, out_w),
        grid=(N // BN,),
        in_specs=specs,
        out_specs=pl.BlockSpec((BN, width), lambda i: (i, 0)),
        out_shape=jax.ShapeDtypeStruct((N, width), jnp.float32),
    )


_layer_hidden = _make_layer(None)
_layer_final = _make_layer(C)


def kernel(x, edge_index, W_self0, W_neigh0, b0, W_self1, W_neigh1, b1,
           W_fc, b_fc):
    src = edge_index[0].reshape(NW, NCHUNK, CHUNK)
    dst = edge_index[1].reshape(NW, NCHUNK, CHUNK)
    zf = jnp.zeros((ROWS_PS, D), jnp.float32)
    zd = jnp.zeros((ROWS_PS, DEGW), jnp.float32)
    ones = jnp.ones((CHUNK, DEGW), jnp.float32)

    degp = _deg_count(dst, zd, ones)
    aggp0 = _seg_sum(x, src, dst, zf)
    h1 = _layer_hidden(x, aggp0, degp, W_self0, W_neigh0,
                       b0.reshape(1, H), W_fc, b_fc.reshape(1, C))
    aggp1 = _seg_sum(h1, src, dst, zf)
    out = _layer_final(h1, aggp1, degp, W_self1, W_neigh1,
                       b1.reshape(1, H), W_fc, b_fc.reshape(1, C))
    return out

# --- scband reference (transcript-rebuilt; emitter-appended) ---
"""Pipeline reference for scband-graph-sage-87892210745356 (READ-ONLY COPY).

The authoritative reference and input builder live on the scoring server;
editing this copy changes nothing except your own understanding.
"""

import jax, jax.numpy as jnp
import numpy as np

N = 10000
E = 320000
D = 128
H = 128
C = 40


def setup_inputs(seed: int = 0) -> dict:
    key = jax.random.key(seed)
    ks = jax.random.split(key, 12)
    x = jax.random.normal(ks[0], (N, D), dtype=jnp.float32)
    edge_index = jax.random.randint(ks[1], (2, E), 0, N, dtype=jnp.int32)
    s = 0.05
    W_self0 = jax.random.normal(ks[2], (D, H), dtype=jnp.float32) * s
    W_neigh0 = jax.random.normal(ks[3], (D, H), dtype=jnp.float32) * s
    b0 = jnp.zeros((H,), dtype=jnp.float32)
    W_self1 = jax.random.normal(ks[4], (H, H), dtype=jnp.float32) * s
    W_neigh1 = jax.random.normal(ks[5], (H, H), dtype=jnp.float32) * s
    b1 = jnp.zeros((H,), dtype=jnp.float32)
    W_fc = jax.random.normal(ks[6], (H, C), dtype=jnp.float32) * s
    b_fc = jnp.zeros((C,), dtype=jnp.float32)
    return {"x": x, "edge_index": edge_index, "W_self0": W_self0, "W_neigh0": W_neigh0, "b0": b0, "W_self1": W_self1, "W_neigh1": W_neigh1, "b1": b1, "W_fc": W_fc, "b_fc": b_fc}


def _sage_layer(h, src, dst, W_self, W_neigh, b, n_nodes):
    # DGL SAGEConv with mean aggregator: fc_self(h_dst) + fc_neigh(mean_{src->dst} h_src)
    msg = jnp.take(h, src, axis=0)
    agg = jnp.zeros((n_nodes, h.shape[1]), dtype=h.dtype).at[dst].add(msg)
    deg = jnp.zeros((n_nodes,), dtype=h.dtype).at[dst].add(1.0)
    neigh = agg / jnp.clip(deg, 1.0, None)[:, None]
    return h @ W_self + neigh @ W_neigh + b


def reference(x, edge_index, W_self0, W_neigh0, b0, W_self1, W_neigh1, b1, W_fc, b_fc):
    src = edge_index[0]
    dst = edge_index[1]
    n_nodes = x.shape[0]
    # dropout is identity in eval/deterministic reference
    h = _sage_layer(x, src, dst, W_self0, W_neigh0, b0, n_nodes)
    h = jax.nn.relu(h)
    h = _sage_layer(h, src, dst, W_self1, W_neigh1, b1, n_nodes)
    h = jax.nn.relu(h)
    out = h @ W_fc + b_fc
    return out

if __name__ == "__main__":
    import jax
    _d = setup_inputs()
    print(jax.jit(kernel)(*tuple(_d.values())))

</pallas_src>

<mosaic_0001>
#map = affine_map<(d0, d1) -> (0, 0)>
#map1 = affine_map<(d0, d1) -> (0, 0, 0)>
module attributes {stable_mosaic.version = 14 : i64} {
  func.func @_seg_sum_body(%arg0: i32, %arg1: i32, %arg2: memref<10000x128xf32, #tpu.memory_space<hbm>>, %arg3: memref<32x80x125xi32, #tpu.memory_space<hbm>>, %arg4: memref<32x80x125xi32, #tpu.memory_space<hbm>>, %arg5: memref<640x128xf32, #tpu.memory_space<hbm>>, %arg6: memref<2x10240x128xf32, #tpu.memory_space<hbm>>, %arg7: memref<10240x128xf32, #tpu.memory_space<vmem_shared>>, %arg8: memref<40x125xi32, #tpu.memory_space<vmem>>, %arg9: memref<40x125xi32, #tpu.memory_space<vmem>>, %arg10: memref<125x128xf32, #tpu.memory_space<vmem>>, %arg11: memref<125x128xf32, #tpu.memory_space<vmem>>, %arg12: memref<!tpu.dma_semaphore, #tpu.memory_space<semaphore_mem>>, %arg13: memref<!tpu.dma_semaphore, #tpu.memory_space<semaphore_mem>>) attributes {dimension_semantics = [#tpu.dimension_semantics<core_parallel>, #tpu.dimension_semantics<subcore_parallel>], iteration_bounds = array<i64: 2, 16>, scalar_prefetch = 0 : i64, scratch_operands = 7 : i64, tpu.core_type = #tpu.core_type<sc_vector_subcore>, window_params = [{transform_indices = #map}, {transform_indices = #map1}, {transform_indices = #map1}, {transform_indices = #map}, {transform_indices = #map1}]} {
    %mul3A = arith.constant 16 : i32
    %mul3A_0 = arith.muli %arg0, %mul3A : i32
    %add3A = arith.addi %mul3A_0, %arg1 : i32
    %mul3A_1 = arith.constant 640 : i32
    %mul3A_2 = arith.muli %arg1, %mul3A_1 : i32
    "tpu.region"() ({
      %run_scoped3A_70 = tpu.sem_alloc : memref<!tpu.dma_semaphore, #tpu.memory_space<semaphore_mem>>
      %dma_start3A_71 = arith.constant 0 : i32
      %dma_start3A_72 = tpu.memref_slice %arg7[%mul3A_2, %dma_start3A_71] : memref<10240x128xf32, #tpu.memory_space<vmem_shared>> -> memref<640x128xf32, #tpu.memory_space<vmem_shared>>
      tpu.enqueue_dma source(%arg5 : memref<640x128xf32, #tpu.memory_space<hbm>>) target(%dma_start3A_72 : memref<640x128xf32, #tpu.memory_space<vmem_shared>>) target_semaphore(%run_scoped3A_70 : memref<!tpu.dma_semaphore, #tpu.memory_space<semaphore_mem>>)
      %dma_wait3A_73 = arith.constant 0 : i32
      %dma_wait3A_74 = tpu.memref_slice %arg7[%mul3A_2, %dma_wait3A_73] : memref<10240x128xf32, #tpu.memory_space<vmem_shared>> -> memref<640x128xf32, #tpu.memory_space<vmem_shared>>
      tpu.wait_dma2 semaphore(%run_scoped3A_70 : memref<!tpu.dma_semaphore, #tpu.memory_space<semaphore_mem>>) src(%arg5 : memref<640x128xf32, #tpu.memory_space<hbm>>) dst(%dma_wait3A_74 : memref<640x128xf32, #tpu.memory_space<vmem_shared>>)
      tpu.yield
    }) : () -> ()
    %barrier3A = arith.constant 0 : index
    tpu.barrier barrier_id(%barrier3A)
    "tpu.region"() ({
      %run_scoped3A_70 = tpu.sem_alloc : memref<!tpu.dma_semaphore, #tpu.memory_space<semaphore_mem>>
      %dma_start3A_71 = arith.constant 0 : i32
      %dma_start3A_72 = arith.constant 0 : i32
      %dma_start3A_73 = tpu.memref_slice %arg3[%add3A, %dma_start3A_71, %dma_start3A_72] : memref<32x80x125xi32, #tpu.memory_space<hbm>> -> memref<1x40x125xi32, #tpu.memory_space<hbm>>
      %dma_start3A_74 = tpu.memref_squeeze %dma_start3A_73 : memref<1x40x125xi32, #tpu.memory_space<hbm>> -> memref<40x125xi32, #tpu.memory_space<hbm>>
      %dma_start3A_75 = arith.constant 0 : i32
      %dma_start3A_76 = arith.constant 0 : i32
      %dma_start3A_77 = tpu.memref_slice %arg3[%add3A, %dma_start3A_75, %dma_start3A_76] : memref<32x80x125xi32, #tpu.memory_space<hbm>> -> memref<1x40x125xi32, #tpu.memory_space<hbm>>
      %dma_start3A_78 = tpu.memref_squeeze %dma_start3A_77 : memref<1x40x125xi32, #tpu.memory_space<hbm>> -> memref<40x125xi32, #tpu.memory_space<hbm>>
      tpu.enqueue_dma source(%dma_start3A_78 : memref<40x125xi32, #tpu.memory_space<hbm>>) target(%arg8 : memref<40x125xi32, #tpu.memory_space<vmem>>) target_semaphore(%run_scoped3A_70 : memref<!tpu.dma_semaphore, #tpu.memory_space<semaphore_mem>>)
      %dma_wait3A_79 = arith.constant 0 : i32
      %dma_wait3A_80 = arith.constant 0 : i32
      %dma_wait3A_81 = tpu.memref_slice %arg3[%add3A, %dma_wait3A_79, %dma_wait3A_80] : memref<32x80x125xi32, #tpu.memory_space<hbm>> -> memref<1x40x125xi32, #tpu.memory_space<hbm>>
      %dma_wait3A_82 = tpu.memref_squeeze %dma_wait3A_81 : memref<1x40x125xi32, #tpu.memory_space<hbm>> -> memref<40x125xi32, #tpu.memory_space<hbm>>
      %dma_wait3A_83 = arith.constant 0 : i32
      %dma_wait3A_84 = arith.constant 0 : i32
      %dma_wait3A_85 = tpu.memref_slice %arg3[%add3A, %dma_wait3A_83, %dma_wait3A_84] : memref<32x80x125xi32, #tpu.memory_space<hbm>> -> memref<1x40x125xi32, #tpu.memory_space<hbm>>
      %dma_wait3A_86 = tpu.memref_squeeze %dma_wait3A_85 : memref<1x40x125xi32, #tpu.memory_space<hbm>> -> memref<40x125xi32, #tpu.memory_space<hbm>>
      tpu.wait_dma2 semaphore(%run_scoped3A_70 : memref<!tpu.dma_semaphore, #tpu.memory_space<semaphore_mem>>) src(%dma_wait3A_86 : memref<40x125xi32, #tpu.memory_space<hbm>>) dst(%arg8 : memref<40x125xi32, #tpu.memory_space<vmem>>)
      tpu.yield
    }) : () -> ()
    "tpu.region"() ({
      %run_scoped3A_70 = tpu.sem_alloc : memref<!tpu.dma_semaphore, #tpu.memory_space<semaphore_mem>>
      %dma_start3A_71 = arith.constant 0 : i32
      %dma_start3A_72 = arith.constant 0 : i32
      %dma_start3A_73 = tpu.memref_slice %arg4[%add3A, %dma_start3A_71, %dma_start3A_72] : memref<32x80x125xi32, #tpu.memory_space<hbm>> -> memref<1x40x125xi32, #tpu.memory_space<hbm>>
      %dma_start3A_74 = tpu.memref_squeeze %dma_start3A_73 : memref<1x40x125xi32, #tpu.memory_space<hbm>> -> memref<40x125xi32, #tpu.memory_space<hbm>>
      %dma_start3A_75 = arith.constant 0 : i32
      %dma_start3A_76 = arith.constant 0 : i32
      %dma_start3A_77 = tpu.memref_slice %arg4[%add3A, %dma_start3A_75, %dma_start3A_76] : memref<32x80x125xi32, #tpu.memory_space<hbm>> -> memref<1x40x125xi32, #tpu.memory_space<hbm>>
      %dma_start3A_78 = tpu.memref_squeeze %dma_start3A_77 : memref<1x40x125xi32, #tpu.memory_space<hbm>> -> memref<40x125xi32, #tpu.memory_space<hbm>>
      tpu.enqueue_dma source(%dma_start3A_78 : memref<40x125xi32, #tpu.memory_space<hbm>>) target(%arg9 : memref<40x125xi32, #tpu.memory_space<vmem>>) target_semaphore(%run_scoped3A_70 : memref<!tpu.dma_semaphore, #tpu.memory_space<semaphore_mem>>)
      %dma_wait3A_79 = arith.constant 0 : i32
      %dma_wait3A_80 = arith.constant 0 : i32
      %dma_wait3A_81 = tpu.memref_slice %arg4[%add3A, %dma_wait3A_79, %dma_wait3A_80] : memref<32x80x125xi32, #tpu.memory_space<hbm>> -> memref<1x40x125xi32, #tpu.memory_space<hbm>>
      %dma_wait3A_82 = tpu.memref_squeeze %dma_wait3A_81 : memref<1x40x125xi32, #tpu.memory_space<hbm>> -> memref<40x125xi32, #tpu.memory_space<hbm>>
      %dma_wait3A_83 = arith.constant 0 : i32
      %dma_wait3A_84 = arith.constant 0 : i32
      %dma_wait3A_85 = tpu.memref_slice %arg4[%add3A, %dma_wait3A_83, %dma_wait3A_84] : memref<32x80x125xi32, #tpu.memory_space<hbm>> -> memref<1x40x125xi32, #tpu.memory_space<hbm>>
      %dma_wait3A_86 = tpu.memref_squeeze %dma_wait3A_85 : memref<1x40x125xi32, #tpu.memory_space<hbm>> -> memref<40x125xi32, #tpu.memory_space<hbm>>
      tpu.wait_dma2 semaphore(%run_scoped3A_70 : memref<!tpu.dma_semaphore, #tpu.memory_space<semaphore_mem>>) src(%dma_wait3A_86 : memref<40x125xi32, #tpu.memory_space<hbm>>) dst(%arg9 : memref<40x125xi32, #tpu.memory_space<vmem>>)
      tpu.yield
    }) : () -> ()
    %dma_start3A = arith.constant 0 : i32
    %dma_start3A_3 = arith.constant 0 : i32
    %dma_start3A_4 = tpu.memref_slice %arg8[%dma_start3A, %dma_start3A_3] : memref<40x125xi32, #tpu.memory_space<vmem>> -> memref<1x125xi32, #tpu.memory_space<vmem>>
    %dma_start3A_5 = tpu.memref_squeeze %dma_start3A_4 : memref<1x125xi32, #tpu.memory_space<vmem>> -> memref<125xi32, #tpu.memory_space<vmem>>
    %dma_start3A_6 = arith.constant 0 : i32
    %dma_start3A_7 = arith.constant 0 : i32
    %dma_start3A_8 = tpu.memref_slice %arg2[%dma_start3A_6, %dma_start3A_7] : memref<10000x128xf32, #tpu.memory_space<hbm>> -> memref<10000x128xf32, #tpu.memory_space<hbm>>
    tpu.enqueue_indirect_dma source(%dma_start3A_8 : memref<10000x128xf32, #tpu.memory_space<hbm>>) target(%arg10 : memref<125x128xf32, #tpu.memory_space<vmem>>) offsets(%dma_start3A_5 : memref<125xi32, #tpu.memory_space<vmem>>) semaphore(%arg12 : memref<!tpu.dma_semaphore, #tpu.memory_space<semaphore_mem>>)
    %scan3A = arith.constant 0 : i32
    %scan3A_9 = arith.constant 19 : i32
    %scan3A_10 = arith.addi %scan3A, %scan3A_9 : i32
    %scan3A_11 = arith.constant 1 : i32
    scf.for %scan3A_70 = %scan3A to %scan3A_10 step %scan3A_11  : i32 {
      %mul3A_71 = arith.constant 1 : i32
      %mul3A_72 = arith.muli %scan3A_70, %mul3A_71 : i32
      %add3A_73 = arith.constant 0 : i32
      %add3A_74 = arith.addi %add3A_73, %mul3A_72 : i32
      %mul3A_75 = arith.constant 2 : i32
      %mul3A_76 = arith.muli %mul3A_75, %add3A_74 : i32
      %add3A_77 = arith.constant 1 : i32
      %add3A_78 = arith.addi %mul3A_76, %add3A_77 : i32
      %dma_start3A_79 = arith.constant 0 : i32
      %dma_start3A_80 = tpu.memref_slice %arg8[%add3A_78, %dma_start3A_79] : memref<40x125xi32, #tpu.memory_space<vmem>> -> memref<1x125xi32, #tpu.memory_space<vmem>>
      %dma_start3A_81 = tpu.memref_squeeze %dma_start3A_80 : memref<1x125xi32, #tpu.memory_space<vmem>> -> memref<125xi32, #tpu.memory_space<vmem>>
      %dma_start3A_82 = arith.constant 0 : i32
      %dma_start3A_83 = arith.constant 0 : i32
      %dma_start3A_84 = tpu.memref_slice %arg2[%dma_start3A_82, %dma_start3A_83] : memref<10000x128xf32, #tpu.memory_space<hbm>> -> memref<10000x128xf32, #tpu.memory_space<hbm>>
      tpu.enqueue_indirect_dma source(%dma_start3A_84 : memref<10000x128xf32, #tpu.memory_space<hbm>>) target(%arg11 : memref<125x128xf32, #tpu.memory_space<vmem>>) offsets(%dma_start3A_81 : memref<125xi32, #tpu.memory_space<vmem>>) semaphore(%arg13 : memref<!tpu.dma_semaphore, #tpu.memory_space<semaphore_mem>>)
      %dma_wait3A_85 = arith.constant 0 : i32
      %dma_wait3A_86 = tpu.memref_slice %arg8[%mul3A_76, %dma_wait3A_85] : memref<40x125xi32, #tpu.memory_space<vmem>> -> memref<1x125xi32, #tpu.memory_space<vmem>>
      %dma_wait3A_87 = tpu.memref_squeeze %dma_wait3A_86 : memref<1x125xi32, #tpu.memory_space<vmem>> -> memref<125xi32, #tpu.memory_space<vmem>>
      %dma_wait3A_88 = arith.constant 0 : i32
      %dma_wait3A_89 = arith.constant 0 : i32
      %dma_wait3A_90 = tpu.memref_slice %arg2[%dma_wait3A_88, %dma_wait3A_89] : memref<10000x128xf32, #tpu.memory_space<hbm>> -> memref<10000x128xf32, #tpu.memory_space<hbm>>
      tpu.wait_indirect_dma semaphore(%arg12 : memref<!tpu.dma_semaphore, #tpu.memory_space<semaphore_mem>>) src(%dma_wait3A_90 : memref<10000x128xf32, #tpu.memory_space<hbm>>) dst(%arg10 : memref<125x128xf32, #tpu.memory_space<vmem>>)
      "tpu.region"() ({
        %run_scoped3A_109 = tpu.sem_alloc : memref<!tpu.dma_semaphore, #tpu.memory_space<semaphore_mem>>
        %dma_start3A_110 = arith.constant 0 : i32
        %dma_start3A_111 = tpu.memref_slice %arg9[%mul3A_76, %dma_start3A_110] : memref<40x125xi32, #tpu.memory_space<vmem>> -> memref<1x125xi32, #tpu.memory_space<vmem>>
        %dma_start3A_112 = tpu.memref_squeeze %dma_start3A_111 : memref<1x125xi32, #tpu.memory_space<vmem>> -> memref<125xi32, #tpu.memory_space<vmem>>
        %dma_start3A_113 = arith.constant 0 : i32
        %dma_start3A_114 = arith.constant 0 : i32
        %dma_start3A_115 = tpu.memref_slice %arg7[%dma_start3A_113, %dma_start3A_114] : memref<10240x128xf32, #tpu.memory_space<vmem_shared>> -> memref<10240x128xf32, #tpu.memory_space<vmem_shared>>
        tpu.enqueue_indirect_dma source(%arg10 : memref<125x128xf32, #tpu.memory_space<vmem>>) target(%dma_start3A_115 : memref<10240x128xf32, #tpu.memory_space<vmem_shared>>) offsets(%dma_start3A_112 : memref<125xi32, #tpu.memory_space<vmem>>) semaphore(%run_scoped3A_109 : memref<!tpu.dma_semaphore, #tpu.memory_space<semaphore_mem>>) {add = true}
        %dma_wait3A_116 = arith.constant 0 : i32
        %dma_wait3A_117 = tpu.memref_slice %arg9[%mul3A_76, %dma_wait3A_116] : memref<40x125xi32, #tpu.memory_space<vmem>> -> memref<1x125xi32, #tpu.memory_space<vmem>>
        %dma_wait3A_118 = tpu.memref_squeeze %dma_wait3A_117 : memref<1x125xi32, #tpu.memory_space<vmem>> -> memref<125xi32, #tpu.memory_space<vmem>>
        %dma_wait3A_119 = arith.constant 0 : i32
        %dma_wait3A_120 = arith.constant 0 : i32
        %dma_wait3A_121 = tpu.memref_slice %arg7[%dma_wait3A_119, %dma_wait3A_120] : memref<10240x128xf32, #tpu.memory_space<vmem_shared>> -> memref<10240x128xf32, #tpu.memory_space<vmem_shared>>
        tpu.wait_indirect_dma semaphore(%run_scoped3A_109 : memref<!tpu.dma_semaphore, #tpu.memory_space<semaphore_mem>>) src(%arg10 : memref<125x128xf32, #tpu.memory_space<vmem>>) dst(%dma_wait3A_121 : memref<10240x128xf32, #tpu.memory_space<vmem_shared>>)
        tpu.yield
      }) : () -> ()
      %add3A_91 = arith.constant 2 : i32
      %add3A_92 = arith.addi %mul3A_76, %add3A_91 : i32
      %dma_start3A_93 = arith.constant 0 : i32
      %dma_start3A_94 = tpu.memref_slice %arg8[%add3A_92, %dma_start3A_93] : memref<40x125xi32, #tpu.memory_space<vmem>> -> memref<1x125xi32, #tpu.memory_space<vmem>>
      %dma_start3A_95 = tpu.memref_squeeze %dma_start3A_94 : memref<1x125xi32, #tpu.memory_space<vmem>> -> memref<125xi32, #tpu.memory_space<vmem>>
      %dma_start3A_96 = arith.constant 0 : i32
      %dma_start3A_97 = arith.constant 0 : i32
      %dma_start3A_98 = tpu.memref_slice %arg2[%dma_start3A_96, %dma_start3A_97] : memref<10000x128xf32, #tpu.memory_space<hbm>> -> memref<10000x128xf32, #tpu.memory_space<hbm>>
      tpu.enqueue_indirect_dma source(%dma_start3A_98 : memref<10000x128xf32, #tpu.memory_space<hbm>>) target(%arg10 : memref<125x128xf32, #tpu.memory_space<vmem>>) offsets(%dma_start3A_95 : memref<125xi32, #tpu.memory_space<vmem>>) semaphore(%arg12 : memref<!tpu.dma_semaphore, #tpu.memory_space<semaphore_mem>>)
      %add3A_99 = arith.constant 1 : i32
      %add3A_100 = arith.addi %mul3A_76, %add3A_99 : i32
      %dma_wait3A_101 = arith.constant 0 : i32
      %dma_wait3A_102 = tpu.memref_slice %arg8[%add3A_100, %dma_wait3A_101] : memref<40x125xi32, #tpu.memory_space<vmem>> -> memref<1x125xi32, #tpu.memory_space<vmem>>
      %dma_wait3A_103 = tpu.memref_squeeze %dma_wait3A_102 : memref<1x125xi32, #tpu.memory_space<vmem>> -> memref<125xi32, #tpu.memory_space<vmem>>
      %dma_wait3A_104 = arith.constant 0 : i32
      %dma_wait3A_105 = arith.constant 0 : i32
      %dma_wait3A_106 = tpu.memref_slice %arg2[%dma_wait3A_104, %dma_wait3A_105] : memref<10000x128xf32, #tpu.memory_space<hbm>> -> memref<10000x128xf32, #tpu.memory_space<hbm>>
      tpu.wait_indirect_dma semaphore(%arg13 : memref<!tpu.dma_semaphore, #tpu.memory_space<semaphore_mem>>) src(%dma_wait3A_106 : memref<10000x128xf32, #tpu.memory_space<hbm>>) dst(%arg11 : memref<125x128xf32, #tpu.memory_space<vmem>>)
      %add3A_107 = arith.constant 1 : i32
      %add3A_108 = arith.addi %mul3A_76, %add3A_107 : i32
      "tpu.region"() ({
        %run_scoped3A_109 = tpu.sem_alloc : memref<!tpu.dma_semaphore, #tpu.memory_space<semaphore_mem>>
        %dma_start3A_110 = arith.constant 0 : i32
        %dma_start3A_111 = tpu.memref_slice %arg9[%add3A_108, %dma_start3A_110] : memref<40x125xi32, #tpu.memory_space<vmem>> -> memref<1x125xi32, #tpu.memory_space<vmem>>
        %dma_start3A_112 = tpu.memref_squeeze %dma_start3A_111 : memref<1x125xi32, #tpu.memory_space<vmem>> -> memref<125xi32, #tpu.memory_space<vmem>>
        %dma_start3A_113 = arith.constant 0 : i32
        %dma_start3A_114 = arith.constant 0 : i32
        %dma_start3A_115 = tpu.memref_slice %arg7[%dma_start3A_113, %dma_start3A_114] : memref<10240x128xf32, #tpu.memory_space<vmem_shared>> -> memref<10240x128xf32, #tpu.memory_space<vmem_shared>>
        tpu.enqueue_indirect_dma source(%arg11 : memref<125x128xf32, #tpu.memory_space<vmem>>) target(%dma_start3A_115 : memref<10240x128xf32, #tpu.memory_space<vmem_shared>>) offsets(%dma_start3A_112 : memref<125xi32, #tpu.memory_space<vmem>>) semaphore(%run_scoped3A_109 : memref<!tpu.dma_semaphore, #tpu.memory_space<semaphore_mem>>) {add = true}
        %dma_wait3A_116 = arith.constant 0 : i32
        %dma_wait3A_117 = tpu.memref_slice %arg9[%add3A_108, %dma_wait3A_116] : memref<40x125xi32, #tpu.memory_space<vmem>> -> memref<1x125xi32, #tpu.memory_space<vmem>>
        %dma_wait3A_118 = tpu.memref_squeeze %dma_wait3A_117 : memref<1x125xi32, #tpu.memory_space<vmem>> -> memref<125xi32, #tpu.memory_space<vmem>>
        %dma_wait3A_119 = arith.constant 0 : i32
        %dma_wait3A_120 = arith.constant 0 : i32
        %dma_wait3A_121 = tpu.memref_slice %arg7[%dma_wait3A_119, %dma_wait3A_120] : memref<10240x128xf32, #tpu.memory_space<vmem_shared>> -> memref<10240x128xf32, #tpu.memory_space<vmem_shared>>
        tpu.wait_indirect_dma semaphore(%run_scoped3A_109 : memref<!tpu.dma_semaphore, #tpu.memory_space<semaphore_mem>>) src(%arg11 : memref<125x128xf32, #tpu.memory_space<vmem>>) dst(%dma_wait3A_121 : memref<10240x128xf32, #tpu.memory_space<vmem_shared>>)
        tpu.yield
      }) : () -> ()
    }
    %scan3A_12 = arith.constant 19 : i32
    %dma_start3A_13 = arith.constant 39 : i32
    %dma_start3A_14 = arith.constant 0 : i32
    %dma_start3A_15 = tpu.memref_slice %arg8[%dma_start3A_13, %dma_start3A_14] : memref<40x125xi32, #tpu.memory_space<vmem>> -> memref<1x125xi32, #tpu.memory_space<vmem>>
    %dma_start3A_16 = tpu.memref_squeeze %dma_start3A_15 : memref<1x125xi32, #tpu.memory_space<vmem>> -> memref<125xi32, #tpu.memory_space<vmem>>
    %dma_start3A_17 = arith.constant 0 : i32
    %dma_start3A_18 = arith.constant 0 : i32
    %dma_start3A_19 = tpu.memref_slice %arg2[%dma_start3A_17, %dma_start3A_18] : memref<10000x128xf32, #tpu.memory_space<hbm>> -> memref<10000x128xf32, #tpu.memory_space<hbm>>
    tpu.enqueue_indirect_dma source(%dma_start3A_19 : memref<10000x128xf32, #tpu.memory_space<hbm>>) target(%arg11 : memref<125x128xf32, #tpu.memory_space<vmem>>) offsets(%dma_start3A_16 : memref<125xi32, #tpu.memory_space<vmem>>) semaphore(%arg13 : memref<!tpu.dma_semaphore, #tpu.memory_space<semaphore_mem>>)
    %dma_wait3A = arith.constant 38 : i32
    %dma_wait3A_20 = arith.constant 0 : i32
    %dma_wait3A_21 = tpu.memref_slice %arg8[%dma_wait3A, %dma_wait3A_20] : memref<40x125xi32, #tpu.memory_space<vmem>> -> memref<1x125xi32, #tpu.memory_space<vmem>>
    %dma_wait3A_22 = tpu.memref_squeeze %dma_wait3A_21 : memref<1x125xi32, #tpu.memory_space<vmem>> -> memref<125xi32, #tpu.memory_space<vmem>>
    %dma_wait3A_23 = arith.constant 0 : i32
    %dma_wait3A_24 = arith.constant 0 : i32
    %dma_wait3A_25 = tpu.memref_slice %arg2[%dma_wait3A_23, %dma_wait3A_24] : memref<10000x128xf32, #tpu.memory_space<hbm>> -> memref<10000x128xf32, #tpu.memory_space<hbm>>
    tpu.wait_indirect_dma semaphore(%arg12 : memref<!tpu.dma_semaphore, #tpu.memory_space<semaphore_mem>>) src(%dma_wait3A_25 : memref<10000x128xf32, #tpu.memory_space<hbm>>) dst(%arg10 : memref<125x128xf32, #tpu.memory_space<vmem>>)
    %run_scoped3A = arith.constant 38 : i32
    "tpu.region"() ({
      %run_scoped3A_70 = tpu.sem_alloc : memref<!tpu.dma_semaphore, #tpu.memory_space<semaphore_mem>>
      %dma_start3A_71 = arith.constant 0 : i32
      %dma_start3A_72 = tpu.memref_slice %arg9[%run_scoped3A, %dma_start3A_71] : memref<40x125xi32, #tpu.memory_space<vmem>> -> memref<1x125xi32, #tpu.memory_space<vmem>>
      %dma_start3A_73 = tpu.memref_squeeze %dma_start3A_72 : memref<1x125xi32, #tpu.memory_space<vmem>> -> memref<125xi32, #tpu.memory_space<vmem>>
      %dma_start3A_74 = arith.constant 0 : i32
      %dma_start3A_75 = arith.constant 0 : i32
      %dma_start3A_76 = tpu.memref_slice %arg7[%dma_start3A_74, %dma_start3A_75] : memref<10240x128xf32, #tpu.memory_space<vmem_shared>> -> memref<10240x128xf32, #tpu.memory_space<vmem_shared>>
      tpu.enqueue_indirect_dma source(%arg10 : memref<125x128xf32, #tpu.memory_space<vmem>>) target(%dma_start3A_76 : memref<10240x128xf32, #tpu.memory_space<vmem_shared>>) offsets(%dma_start3A_73 : memref<125xi32, #tpu.memory_space<vmem>>) semaphore(%run_scoped3A_70 : memref<!tpu.dma_semaphore, #tpu.memory_space<semaphore_mem>>) {add = true}
      %dma_wait3A_77 = arith.constant 0 : i32
      %dma_wait3A_78 = tpu.memref_slice %arg9[%run_scoped3A, %dma_wait3A_77] : memref<40x125xi32, #tpu.memory_space<vmem>> -> memref<1x125xi32, #tpu.memory_space<vmem>>
      %dma_wait3A_79 = tpu.memref_squeeze %dma_wait3A_78 : memref<1x125xi32, #tpu.memory_space<vmem>> -> memref<125xi32, #tpu.memory_space<vmem>>
      %dma_wait3A_80 = arith.constant 0 : i32
      %dma_wait3A_81 = arith.constant 0 : i32
      %dma_wait3A_82 = tpu.memref_slice %arg7[%dma_wait3A_80, %dma_wait3A_81] : memref<10240x128xf32, #tpu.memory_space<vmem_shared>> -> memref<10240x128xf32, #tpu.memory_space<vmem_shared>>
      tpu.wait_indirect_dma semaphore(%run_scoped3A_70 : memref<!tpu.dma_semaphore, #tpu.memory_space<semaphore_mem>>) src(%arg10 : memref<125x128xf32, #tpu.memory_space<vmem>>) dst(%dma_wait3A_82 : memref<10240x128xf32, #tpu.memory_space<vmem_shared>>)
      tpu.yield
    }) : () -> ()
    %dma_wait3A_26 = arith.constant 39 : i32
    %dma_wait3A_27 = arith.constant 0 : i32
    %dma_wait3A_28 = tpu.memref_slice %arg8[%dma_wait3A_26, %dma_wait3A_27] : memref<40x125xi32, #tpu.memory_space<vmem>> -> memref<1x125xi32, #tpu.memory_space<vmem>>
    %dma_wait3A_29 = tpu.memref_squeeze %dma_wait3A_28 : memref<1x125xi32, #tpu.memory_space<vmem>> -> memref<125xi32, #tpu.memory_space<vmem>>
    %dma_wait3A_30 = arith.constant 0 : i32
    %dma_wait3A_31 = arith.constant 0 : i32
    %dma_wait3A_32 = tpu.memref_slice %arg2[%dma_wait3A_30, %dma_wait3A_31] : memref<10000x128xf32, #tpu.memory_space<hbm>> -> memref<10000x128xf32, #tpu.memory_space<hbm>>
    tpu.wait_indirect_dma semaphore(%arg13 : memref<!tpu.dma_semaphore, #tpu.memory_space<semaphore_mem>>) src(%dma_wait3A_32 : memref<10000x128xf32, #tpu.memory_space<hbm>>) dst(%arg11 : memref<125x128xf32, #tpu.memory_space<vmem>>)
    %run_scoped3A_33 = arith.constant 39 : i32
    "tpu.region"() ({
      %run_scoped3A_70 = tpu.sem_alloc : memref<!tpu.dma_semaphore, #tpu.memory_space<semaphore_mem>>
      %dma_start3A_71 = arith.constant 0 : i32
      %dma_start3A_72 = tpu.memref_slice %arg9[%run_scoped3A_33, %dma_start3A_71] : memref<40x125xi32, #tpu.memory_space<vmem>> -> memref<1x125xi32, #tpu.memory_space<vmem>>
      %dma_start3A_73 = tpu.memref_squeeze %dma_start3A_72 : memref<1x125xi32, #tpu.memory_space<vmem>> -> memref<125xi32, #tpu.memory_space<vmem>>
      %dma_start3A_74 = arith.constant 0 : i32
      %dma_start3A_75 = arith.constant 0 : i32
      %dma_start3A_76 = tpu.memref_slice %arg7[%dma_start3A_74, %dma_start3A_75] : memref<10240x128xf32, #tpu.memory_space<vmem_shared>> -> memref<10240x128xf32, #tpu.memory_space<vmem_shared>>
      tpu.enqueue_indirect_dma source(%arg11 : memref<125x128xf32, #tpu.memory_space<vmem>>) target(%dma_start3A_76 : memref<10240x128xf32, #tpu.memory_space<vmem_shared>>) offsets(%dma_start3A_73 : memref<125xi32, #tpu.memory_space<vmem>>) semaphore(%run_scoped3A_70 : memref<!tpu.dma_semaphore, #tpu.memory_space<semaphore_mem>>) {add = true}
      %dma_wait3A_77 = arith.constant 0 : i32
      %dma_wait3A_78 = tpu.memref_slice %arg9[%run_scoped3A_33, %dma_wait3A_77] : memref<40x125xi32, #tpu.memory_space<vmem>> -> memref<1x125xi32, #tpu.memory_space<vmem>>
      %dma_wait3A_79 = tpu.memref_squeeze %dma_wait3A_78 : memref<1x125xi32, #tpu.memory_space<vmem>> -> memref<125xi32, #tpu.memory_space<vmem>>
      %dma_wait3A_80 = arith.constant 0 : i32
      %dma_wait3A_81 = arith.constant 0 : i32
      %dma_wait3A_82 = tpu.memref_slice %arg7[%dma_wait3A_80, %dma_wait3A_81] : memref<10240x128xf32, #tpu.memory_space<vmem_shared>> -> memref<10240x128xf32, #tpu.memory_space<vmem_shared>>
      tpu.wait_indirect_dma semaphore(%run_scoped3A_70 : memref<!tpu.dma_semaphore, #tpu.memory_space<semaphore_mem>>) src(%arg11 : memref<125x128xf32, #tpu.memory_space<vmem>>) dst(%dma_wait3A_82 : memref<10240x128xf32, #tpu.memory_space<vmem_shared>>)
      tpu.yield
    }) : () -> ()
    "tpu.region"() ({
      %run_scoped3A_70 = tpu.sem_alloc : memref<!tpu.dma_semaphore, #tpu.memory_space<semaphore_mem>>
      %dma_start3A_71 = arith.constant 40 : i32
      %dma_start3A_72 = arith.constant 0 : i32
      %dma_start3A_73 = tpu.memref_slice %arg3[%add3A, %dma_start3A_71, %dma_start3A_72] : memref<32x80x125xi32, #tpu.memory_space<hbm>> -> memref<1x40x125xi32, #tpu.memory_space<hbm>>
      %dma_start3A_74 = tpu.memref_squeeze %dma_start3A_73 : memref<1x40x125xi32, #tpu.memory_space<hbm>> -> memref<40x125xi32, #tpu.memory_space<hbm>>
      %dma_start3A_75 = arith.constant 40 : i32
      %dma_start3A_76 = arith.constant 0 : i32
      %dma_start3A_77 = tpu.memref_slice %arg3[%add3A, %dma_start3A_75, %dma_start3A_76] : memref<32x80x125xi32, #tpu.memory_space<hbm>> -> memref<1x40x125xi32, #tpu.memory_space<hbm>>
      %dma_start3A_78 = tpu.memref_squeeze %dma_start3A_77 : memref<1x40x125xi32, #tpu.memory_space<hbm>> -> memref<40x125xi32, #tpu.memory_space<hbm>>
      tpu.enqueue_dma source(%dma_start3A_78 : memref<40x125xi32, #tpu.memory_space<hbm>>) target(%arg8 : memref<40x125xi32, #tpu.memory_space<vmem>>) target_semaphore(%run_scoped3A_70 : memref<!tpu.dma_semaphore, #tpu.memory_space<semaphore_mem>>)
      %dma_wait3A_79 = arith.constant 40 : i32
      %dma_wait3A_80 = arith.constant 0 : i32
      %dma_wait3A_81 = tpu.memref_slice %arg3[%add3A, %dma_wait3A_79, %dma_wait3A_80] : memref<32x80x125xi32, #tpu.memory_space<hbm>> -> memref<1x40x125xi32, #tpu.memory_space<hbm>>
      %dma_wait3A_82 = tpu.memref_squeeze %dma_wait3A_81 : memref<1x40x125xi32, #tpu.memory_space<hbm>> -> memref<40x125xi32, #tpu.memory_space<hbm>>
      %dma_wait3A_83 = arith.constant 40 : i32
      %dma_wait3A_84 = arith.constant 0 : i32
      %dma_wait3A_85 = tpu.memref_slice %arg3[%add3A, %dma_wait3A_83, %dma_wait3A_84] : memref<32x80x125xi32, #tpu.memory_space<hbm>> -> memref<1x40x125xi32, #tpu.memory_space<hbm>>
      %dma_wait3A_86 = tpu.memref_squeeze %dma_wait3A_85 : memref<1x40x125xi32, #tpu.memory_space<hbm>> -> memref<40x125xi32, #tpu.memory_space<hbm>>
      tpu.wait_dma2 semaphore(%run_scoped3A_70 : memref<!tpu.dma_semaphore, #tpu.memory_space<semaphore_mem>>) src(%dma_wait3A_86 : memref<40x125xi32, #tpu.memory_space<hbm>>) dst(%arg8 : memref<40x125xi32, #tpu.memory_space<vmem>>)
      tpu.yield
    }) : () -> ()
    "tpu.region"() ({
      %run_scoped3A_70 = tpu.sem_alloc : memref<!tpu.dma_semaphore, #tpu.memory_space<semaphore_mem>>
      %dma_start3A_71 = arith.constant 40 : i32
      %dma_start3A_72 = arith.constant 0 : i32
      %dma_start3A_73 = tpu.memref_slice %arg4[%add3A, %dma_start3A_71, %dma_start3A_72] : memref<32x80x125xi32, #tpu.memory_space<hbm>> -> memref<1x40x125xi32, #tpu.memory_space<hbm>>
      %dma_start3A_74 = tpu.memref_squeeze %dma_start3A_73 : memref<1x40x125xi32, #tpu.memory_space<hbm>> -> memref<40x125xi32, #tpu.memory_space<hbm>>
      %dma_start3A_75 = arith.constant 40 : i32
      %dma_start3A_76 = arith.constant 0 : i32
      %dma_start3A_77 = tpu.memref_slice %arg4[%add3A, %dma_start3A_75, %dma_start3A_76] : memref<32x80x125xi32, #tpu.memory_space<hbm>> -> memref<1x40x125xi32, #tpu.memory_space<hbm>>
      %dma_start3A_78 = tpu.memref_squeeze %dma_start3A_77 : memref<1x40x125xi32, #tpu.memory_space<hbm>> -> memref<40x125xi32, #tpu.memory_space<hbm>>
      tpu.enqueue_dma source(%dma_start3A_78 : memref<40x125xi32, #tpu.memory_space<hbm>>) target(%arg9 : memref<40x125xi32, #tpu.memory_space<vmem>>) target_semaphore(%run_scoped3A_70 : memref<!tpu.dma_semaphore, #tpu.memory_space<semaphore_mem>>)
      %dma_wait3A_79 = arith.constant 40 : i32
      %dma_wait3A_80 = arith.constant 0 : i32
      %dma_wait3A_81 = tpu.memref_slice %arg4[%add3A, %dma_wait3A_79, %dma_wait3A_80] : memref<32x80x125xi32, #tpu.memory_space<hbm>> -> memref<1x40x125xi32, #tpu.memory_space<hbm>>
      %dma_wait3A_82 = tpu.memref_squeeze %dma_wait3A_81 : memref<1x40x125xi32, #tpu.memory_space<hbm>> -> memref<40x125xi32, #tpu.memory_space<hbm>>
      %dma_wait3A_83 = arith.constant 40 : i32
      %dma_wait3A_84 = arith.constant 0 : i32
      %dma_wait3A_85 = tpu.memref_slice %arg4[%add3A, %dma_wait3A_83, %dma_wait3A_84] : memref<32x80x125xi32, #tpu.memory_space<hbm>> -> memref<1x40x125xi32, #tpu.memory_space<hbm>>
      %dma_wait3A_86 = tpu.memref_squeeze %dma_wait3A_85 : memref<1x40x125xi32, #tpu.memory_space<hbm>> -> memref<40x125xi32, #tpu.memory_space<hbm>>
      tpu.wait_dma2 semaphore(%run_scoped3A_70 : memref<!tpu.dma_semaphore, #tpu.memory_space<semaphore_mem>>) src(%dma_wait3A_86 : memref<40x125xi32, #tpu.memory_space<hbm>>) dst(%arg9 : memref<40x125xi32, #tpu.memory_space<vmem>>)
      tpu.yield
    }) : () -> ()
    %dma_start3A_34 = arith.constant 0 : i32
    %dma_start3A_35 = arith.constant 0 : i32
    %dma_start3A_36 = tpu.memref_slice %arg8[%dma_start3A_34, %dma_start3A_35] : memref<40x125xi32, #tpu.memory_space<vmem>> -> memref<1x125xi32, #tpu.memory_space<vmem>>
    %dma_start3A_37 = tpu.memref_squeeze %dma_start3A_36 : memref<1x125xi32, #tpu.memory_space<vmem>> -> memref<125xi32, #tpu.memory_space<vmem>>
    %dma_start3A_38 = arith.constant 0 : i32
    %dma_start3A_39 = arith.constant 0 : i32
    %dma_start3A_40 = tpu.memref_slice %arg2[%dma_start3A_38, %dma_start3A_39] : memref<10000x128xf32, #tpu.memory_space<hbm>> -> memref<10000x128xf32, #tpu.memory_space<hbm>>
    tpu.enqueue_indirect_dma source(%dma_start3A_40 : memref<10000x128xf32, #tpu.memory_space<hbm>>) target(%arg10 : memref<125x128xf32, #tpu.memory_space<vmem>>) offsets(%dma_start3A_37 : memref<125xi32, #tpu.memory_space<vmem>>) semaphore(%arg12 : memref<!tpu.dma_semaphore, #tpu.memory_space<semaphore_mem>>)
    %scan3A_41 = arith.constant 0 : i32
    %scan3A_42 = arith.constant 19 : i32
    %scan3A_43 = arith.addi %scan3A_41, %scan3A_42 : i32
    %scan3A_44 = arith.constant 1 : i32
    scf.for %scan3A_70 = %scan3A_41 to %scan3A_43 step %scan3A_44  : i32 {
      %mul3A_71 = arith.constant 1 : i32
      %mul3A_72 = arith.muli %scan3A_70, %mul3A_71 : i32
      %add3A_73 = arith.constant 0 : i32
      %add3A_74 = arith.addi %add3A_73, %mul3A_72 : i32
      %mul3A_75 = arith.constant 2 : i32
      %mul3A_76 = arith.muli %mul3A_75, %add3A_74 : i32
      %add3A_77 = arith.constant 1 : i32
      %add3A_78 = arith.addi %mul3A_76, %add3A_77 : i32
      %dma_start3A_79 = arith.constant 0 : i32
      %dma_start3A_80 = tpu.memref_slice %arg8[%add3A_78, %dma_start3A_79] : memref<40x125xi32, #tpu.memory_space<vmem>> -> memref<1x125xi32, #tpu.memory_space<vmem>>
      %dma_start3A_81 = tpu.memref_squeeze %dma_start3A_80 : memref<1x125xi32, #tpu.memory_space<vmem>> -> memref<125xi32, #tpu.memory_space<vmem>>
      %dma_start3A_82 = arith.constant 0 : i32
      %dma_start3A_83 = arith.constant 0 : i32
      %dma_start3A_84 = tpu.memref_slice %arg2[%dma_start3A_82, %dma_start3A_83] : memref<10000x128xf32, #tpu.memory_space<hbm>> -> memref<10000x128xf32, #tpu.memory_space<hbm>>
      tpu.enqueue_indirect_dma source(%dma_start3A_84 : memref<10000x128xf32, #tpu.memory_space<hbm>>) target(%arg11 : memref<125x128xf32, #tpu.memory_space<vmem>>) offsets(%dma_start3A_81 : memref<125xi32, #tpu.memory_space<vmem>>) semaphore(%arg13 : memref<!tpu.dma_semaphore, #tpu.memory_space<semaphore_mem>>)
      %dma_wait3A_85 = arith.constant 0 : i32
      %dma_wait3A_86 = tpu.memref_slice %arg8[%mul3A_76, %dma_wait3A_85] : memref<40x125xi32, #tpu.memory_space<vmem>> -> memref<1x125xi32, #tpu.memory_space<vmem>>
      %dma_wait3A_87 = tpu.memref_squeeze %dma_wait3A_86 : memref<1x125xi32, #tpu.memory_space<vmem>> -> memref<125xi32, #tpu.memory_space<vmem>>
      %dma_wait3A_88 = arith.constant 0 : i32
      %dma_wait3A_89 = arith.constant 0 : i32
      %dma_wait3A_90 = tpu.memref_slice %arg2[%dma_wait3A_88, %dma_wait3A_89] : memref<10000x128xf32, #tpu.memory_space<hbm>> -> memref<10000x128xf32, #tpu.memory_space<hbm>>
      tpu.wait_indirect_dma semaphore(%arg12 : memref<!tpu.dma_semaphore, #tpu.memory_space<semaphore_mem>>) src(%dma_wait3A_90 : memref<10000x128xf32, #tpu.memory_space<hbm>>) dst(%arg10 : memref<125x128xf32, #tpu.memory_space<vmem>>)
      "tpu.region"() ({
        %run_scoped3A_109 = tpu.sem_alloc : memref<!tpu.dma_semaphore, #tpu.memory_space<semaphore_mem>>
        %dma_start3A_110 = arith.constant 0 : i32
        %dma_start3A_111 = tpu.memref_slice %arg9[%mul3A_76, %dma_start3A_110] : memref<40x125xi32, #tpu.memory_space<vmem>> -> memref<1x125xi32, #tpu.memory_space<vmem>>
        %dma_start3A_112 = tpu.memref_squeeze %dma_start3A_111 : memref<1x125xi32, #tpu.memory_space<vmem>> -> memref<125xi32, #tpu.memory_space<vmem>>
        %dma_start3A_113 = arith.constant 0 : i32
        %dma_start3A_114 = arith.constant 0 : i32
        %dma_start3A_115 = tpu.memref_slice %arg7[%dma_start3A_113, %dma_start3A_114] : memref<10240x128xf32, #tpu.memory_space<vmem_shared>> -> memref<10240x128xf32, #tpu.memory_space<vmem_shared>>
        tpu.enqueue_indirect_dma source(%arg10 : memref<125x128xf32, #tpu.memory_space<vmem>>) target(%dma_start3A_115 : memref<10240x128xf32, #tpu.memory_space<vmem_shared>>) offsets(%dma_start3A_112 : memref<125xi32, #tpu.memory_space<vmem>>) semaphore(%run_scoped3A_109 : memref<!tpu.dma_semaphore, #tpu.memory_space<semaphore_mem>>) {add = true}
        %dma_wait3A_116 = arith.constant 0 : i32
        %dma_wait3A_117 = tpu.memref_slice %arg9[%mul3A_76, %dma_wait3A_116] : memref<40x125xi32, #tpu.memory_space<vmem>> -> memref<1x125xi32, #tpu.memory_space<vmem>>
        %dma_wait3A_118 = tpu.memref_squeeze %dma_wait3A_117 : memref<1x125xi32, #tpu.memory_space<vmem>> -> memref<125xi32, #tpu.memory_space<vmem>>
        %dma_wait3A_119 = arith.constant 0 : i32
        %dma_wait3A_120 = arith.constant 0 : i32
        %dma_wait3A_121 = tpu.memref_slice %arg7[%dma_wait3A_119, %dma_wait3A_120] : memref<10240x128xf32, #tpu.memory_space<vmem_shared>> -> memref<10240x128xf32, #tpu.memory_space<vmem_shared>>
        tpu.wait_indirect_dma semaphore(%run_scoped3A_109 : memref<!tpu.dma_semaphore, #tpu.memory_space<semaphore_mem>>) src(%arg10 : memref<125x128xf32, #tpu.memory_space<vmem>>) dst(%dma_wait3A_121 : memref<10240x128xf32, #tpu.memory_space<vmem_shared>>)
        tpu.yield
      }) : () -> ()
      %add3A_91 = arith.constant 2 : i32
      %add3A_92 = arith.addi %mul3A_76, %add3A_91 : i32
      %dma_start3A_93 = arith.constant 0 : i32
      %dma_start3A_94 = tpu.memref_slice %arg8[%add3A_92, %dma_start3A_93] : memref<40x125xi32, #tpu.memory_space<vmem>> -> memref<1x125xi32, #tpu.memory_space<vmem>>
      %dma_start3A_95 = tpu.memref_squeeze %dma_start3A_94 : memref<1x125xi32, #tpu.memory_space<vmem>> -> memref<125xi32, #tpu.memory_space<vmem>>
      %dma_start3A_96 = arith.constant 0 : i32
      %dma_start3A_97 = arith.constant 0 : i32
      %dma_start3A_98 = tpu.memref_slice %arg2[%dma_start3A_96, %dma_start3A_97] : memref<10000x128xf32, #tpu.memory_space<hbm>> -> memref<10000x128xf32, #tpu.memory_space<hbm>>
      tpu.enqueue_indirect_dma source(%dma_start3A_98 : memref<10000x128xf32, #tpu.memory_space<hbm>>) target(%arg10 : memref<125x128xf32, #tpu.memory_space<vmem>>) offsets(%dma_start3A_95 : memref<125xi32, #tpu.memory_space<vmem>>) semaphore(%arg12 : memref<!tpu.dma_semaphore, #tpu.memory_space<semaphore_mem>>)
      %add3A_99 = arith.constant 1 : i32
      %add3A_100 = arith.addi %mul3A_76, %add3A_99 : i32
      %dma_wait3A_101 = arith.constant 0 : i32
      %dma_wait3A_102 = tpu.memref_slice %arg8[%add3A_100, %dma_wait3A_101] : memref<40x125xi32, #tpu.memory_space<vmem>> -> memref<1x125xi32, #tpu.memory_space<vmem>>
      %dma_wait3A_103 = tpu.memref_squeeze %dma_wait3A_102 : memref<1x125xi32, #tpu.memory_space<vmem>> -> memref<125xi32, #tpu.memory_space<vmem>>
      %dma_wait3A_104 = arith.constant 0 : i32
      %dma_wait3A_105 = arith.constant 0 : i32
      %dma_wait3A_106 = tpu.memref_slice %arg2[%dma_wait3A_104, %dma_wait3A_105] : memref<10000x128xf32, #tpu.memory_space<hbm>> -> memref<10000x128xf32, #tpu.memory_space<hbm>>
      tpu.wait_indirect_dma semaphore(%arg13 : memref<!tpu.dma_semaphore, #tpu.memory_space<semaphore_mem>>) src(%dma_wait3A_106 : memref<10000x128xf32, #tpu.memory_space<hbm>>) dst(%arg11 : memref<125x128xf32, #tpu.memory_space<vmem>>)
      %add3A_107 = arith.constant 1 : i32
      %add3A_108 = arith.addi %mul3A_76, %add3A_107 : i32
      "tpu.region"() ({
        %run_scoped3A_109 = tpu.sem_alloc : memref<!tpu.dma_semaphore, #tpu.memory_space<semaphore_mem>>
        %dma_start3A_110 = arith.constant 0 : i32
        %dma_start3A_111 = tpu.memref_slice %arg9[%add3A_108, %dma_start3A_110] : memref<40x125xi32, #tpu.memory_space<vmem>> -> memref<1x125xi32, #tpu.memory_space<vmem>>
        %dma_start3A_112 = tpu.memref_squeeze %dma_start3A_111 : memref<1x125xi32, #tpu.memory_space<vmem>> -> memref<125xi32, #tpu.memory_space<vmem>>
        %dma_start3A_113 = arith.constant 0 : i32
        %dma_start3A_114 = arith.constant 0 : i32
        %dma_start3A_115 = tpu.memref_slice %arg7[%dma_start3A_113, %dma_start3A_114] : memref<10240x128xf32, #tpu.memory_space<vmem_shared>> -> memref<10240x128xf32, #tpu.memory_space<vmem_shared>>
        tpu.enqueue_indirect_dma source(%arg11 : memref<125x128xf32, #tpu.memory_space<vmem>>) target(%dma_start3A_115 : memref<10240x128xf32, #tpu.memory_space<vmem_shared>>) offsets(%dma_start3A_112 : memref<125xi32, #tpu.memory_space<vmem>>) semaphore(%run_scoped3A_109 : memref<!tpu.dma_semaphore, #tpu.memory_space<semaphore_mem>>) {add = true}
        %dma_wait3A_116 = arith.constant 0 : i32
        %dma_wait3A_117 = tpu.memref_slice %arg9[%add3A_108, %dma_wait3A_116] : memref<40x125xi32, #tpu.memory_space<vmem>> -> memref<1x125xi32, #tpu.memory_space<vmem>>
        %dma_wait3A_118 = tpu.memref_squeeze %dma_wait3A_117 : memref<1x125xi32, #tpu.memory_space<vmem>> -> memref<125xi32, #tpu.memory_space<vmem>>
        %dma_wait3A_119 = arith.constant 0 : i32
        %dma_wait3A_120 = arith.constant 0 : i32
        %dma_wait3A_121 = tpu.memref_slice %arg7[%dma_wait3A_119, %dma_wait3A_120] : memref<10240x128xf32, #tpu.memory_space<vmem_shared>> -> memref<10240x128xf32, #tpu.memory_space<vmem_shared>>
        tpu.wait_indirect_dma semaphore(%run_scoped3A_109 : memref<!tpu.dma_semaphore, #tpu.memory_space<semaphore_mem>>) src(%arg11 : memref<125x128xf32, #tpu.memory_space<vmem>>) dst(%dma_wait3A_121 : memref<10240x128xf32, #tpu.memory_space<vmem_shared>>)
        tpu.yield
      }) : () -> ()
    }
    %scan3A_45 = arith.constant 19 : i32
    %dma_start3A_46 = arith.constant 39 : i32
    %dma_start3A_47 = arith.constant 0 : i32
    %dma_start3A_48 = tpu.memref_slice %arg8[%dma_start3A_46, %dma_start3A_47] : memref<40x125xi32, #tpu.memory_space<vmem>> -> memref<1x125xi32, #tpu.memory_space<vmem>>
    %dma_start3A_49 = tpu.memref_squeeze %dma_start3A_48 : memref<1x125xi32, #tpu.memory_space<vmem>> -> memref<125xi32, #tpu.memory_space<vmem>>
    %dma_start3A_50 = arith.constant 0 : i32
    %dma_start3A_51 = arith.constant 0 : i32
    %dma_start3A_52 = tpu.memref_slice %arg2[%dma_start3A_50, %dma_start3A_51] : memref<10000x128xf32, #tpu.memory_space<hbm>> -> memref<10000x128xf32, #tpu.memory_space<hbm>>
    tpu.enqueue_indirect_dma source(%dma_start3A_52 : memref<10000x128xf32, #tpu.memory_space<hbm>>) target(%arg11 : memref<125x128xf32, #tpu.memory_space<vmem>>) offsets(%dma_start3A_49 : memref<125xi32, #tpu.memory_space<vmem>>) semaphore(%arg13 : memref<!tpu.dma_semaphore, #tpu.memory_space<semaphore_mem>>)
    %dma_wait3A_53 = arith.constant 38 : i32
    %dma_wait3A_54 = arith.constant 0 : i32
    %dma_wait3A_55 = tpu.memref_slice %arg8[%dma_wait3A_53, %dma_wait3A_54] : memref<40x125xi32, #tpu.memory_space<vmem>> -> memref<1x125xi32, #tpu.memory_space<vmem>>
    %dma_wait3A_56 = tpu.memref_squeeze %dma_wait3A_55 : memref<1x125xi32, #tpu.memory_space<vmem>> -> memref<125xi32, #tpu.memory_space<vmem>>
    %dma_wait3A_57 = arith.constant 0 : i32
    %dma_wait3A_58 = arith.constant 0 : i32
    %dma_wait3A_59 = tpu.memref_slice %arg2[%dma_wait3A_57, %dma_wait3A_58] : memref<10000x128xf32, #tpu.memory_space<hbm>> -> memref<10000x128xf32, #tpu.memory_space<hbm>>
    tpu.wait_indirect_dma semaphore(%arg12 : memref<!tpu.dma_semaphore, #tpu.memory_space<semaphore_mem>>) src(%dma_wait3A_59 : memref<10000x128xf32, #tpu.memory_space<hbm>>) dst(%arg10 : memref<125x128xf32, #tpu.memory_space<vmem>>)
    %run_scoped3A_60 = arith.constant 38 : i32
    "tpu.region"() ({
      %run_scoped3A_70 = tpu.sem_alloc : memref<!tpu.dma_semaphore, #tpu.memory_space<semaphore_mem>>
      %dma_start3A_71 = arith.constant 0 : i32
      %dma_start3A_72 = tpu.memref_slice %arg9[%run_scoped3A_60, %dma_start3A_71] : memref<40x125xi32, #tpu.memory_space<vmem>> -> memref<1x125xi32, #tpu.memory_space<vmem>>
      %dma_start3A_73 = tpu.memref_squeeze %dma_start3A_72 : memref<1x125xi32, #tpu.memory_space<vmem>> -> memref<125xi32, #tpu.memory_space<vmem>>
      %dma_start3A_74 = arith.constant 0 : i32
      %dma_start3A_75 = arith.constant 0 : i32
      %dma_start3A_76 = tpu.memref_slice %arg7[%dma_start3A_74, %dma_start3A_75] : memref<10240x128xf32, #tpu.memory_space<vmem_shared>> -> memref<10240x128xf32, #tpu.memory_space<vmem_shared>>
      tpu.enqueue_indirect_dma source(%arg10 : memref<125x128xf32, #tpu.memory_space<vmem>>) target(%dma_start3A_76 : memref<10240x128xf32, #tpu.memory_space<vmem_shared>>) offsets(%dma_start3A_73 : memref<125xi32, #tpu.memory_space<vmem>>) semaphore(%run_scoped3A_70 : memref<!tpu.dma_semaphore, #tpu.memory_space<semaphore_mem>>) {add = true}
      %dma_wait3A_77 = arith.constant 0 : i32
      %dma_wait3A_78 = tpu.memref_slice %arg9[%run_scoped3A_60, %dma_wait3A_77] : memref<40x125xi32, #tpu.memory_space<vmem>> -> memref<1x125xi32, #tpu.memory_space<vmem>>
      %dma_wait3A_79 = tpu.memref_squeeze %dma_wait3A_78 : memref<1x125xi32, #tpu.memory_space<vmem>> -> memref<125xi32, #tpu.memory_space<vmem>>
      %dma_wait3A_80 = arith.constant 0 : i32
      %dma_wait3A_81 = arith.constant 0 : i32
      %dma_wait3A_82 = tpu.memref_slice %arg7[%dma_wait3A_80, %dma_wait3A_81] : memref<10240x128xf32, #tpu.memory_space<vmem_shared>> -> memref<10240x128xf32, #tpu.memory_space<vmem_shared>>
      tpu.wait_indirect_dma semaphore(%run_scoped3A_70 : memref<!tpu.dma_semaphore, #tpu.memory_space<semaphore_mem>>) src(%arg10 : memref<125x128xf32, #tpu.memory_space<vmem>>) dst(%dma_wait3A_82 : memref<10240x128xf32, #tpu.memory_space<vmem_shared>>)
      tpu.yield
    }) : () -> ()
    %dma_wait3A_61 = arith.constant 39 : i32
    %dma_wait3A_62 = arith.constant 0 : i32
    %dma_wait3A_63 = tpu.memref_slice %arg8[%dma_wait3A_61, %dma_wait3A_62] : memref<40x125xi32, #tpu.memory_space<vmem>> -> memref<1x125xi32, #tpu.memory_space<vmem>>
    %dma_wait3A_64 = tpu.memref_squeeze %dma_wait3A_63 : memref<1x125xi32, #tpu.memory_space<vmem>> -> memref<125xi32, #tpu.memory_space<vmem>>
    %dma_wait3A_65 = arith.constant 0 : i32
    %dma_wait3A_66 = arith.constant 0 : i32
    %dma_wait3A_67 = tpu.memref_slice %arg2[%dma_wait3A_65, %dma_wait3A_66] : memref<10000x128xf32, #tpu.memory_space<hbm>> -> memref<10000x128xf32, #tpu.memory_space<hbm>>
    tpu.wait_indirect_dma semaphore(%arg13 : memref<!tpu.dma_semaphore, #tpu.memory_space<semaphore_mem>>) src(%dma_wait3A_67 : memref<10000x128xf32, #tpu.memory_space<hbm>>) dst(%arg11 : memref<125x128xf32, #tpu.memory_space<vmem>>)
    %run_scoped3A_68 = arith.constant 39 : i32
    "tpu.region"() ({
      %run_scoped3A_70 = tpu.sem_alloc : memref<!tpu.dma_semaphore, #tpu.memory_space<semaphore_mem>>
      %dma_start3A_71 = arith.constant 0 : i32
      %dma_start3A_72 = tpu.memref_slice %arg9[%run_scoped3A_68, %dma_start3A_71] : memref<40x125xi32, #tpu.memory_space<vmem>> -> memref<1x125xi32, #tpu.memory_space<vmem>>
      %dma_start3A_73 = tpu.memref_squeeze %dma_start3A_72 : memref<1x125xi32, #tpu.memory_space<vmem>> -> memref<125xi32, #tpu.memory_space<vmem>>
      %dma_start3A_74 = arith.constant 0 : i32
      %dma_start3A_75 = arith.constant 0 : i32
      %dma_start3A_76 = tpu.memref_slice %arg7[%dma_start3A_74, %dma_start3A_75] : memref<10240x128xf32, #tpu.memory_space<vmem_shared>> -> memref<10240x128xf32, #tpu.memory_space<vmem_shared>>
      tpu.enqueue_indirect_dma source(%arg11 : memref<125x128xf32, #tpu.memory_space<vmem>>) target(%dma_start3A_76 : memref<10240x128xf32, #tpu.memory_space<vmem_shared>>) offsets(%dma_start3A_73 : memref<125xi32, #tpu.memory_space<vmem>>) semaphore(%run_scoped3A_70 : memref<!tpu.dma_semaphore, #tpu.memory_space<semaphore_mem>>) {add = true}
      %dma_wait3A_77 = arith.constant 0 : i32
      %dma_wait3A_78 = tpu.memref_slice %arg9[%run_scoped3A_68, %dma_wait3A_77] : memref<40x125xi32, #tpu.memory_space<vmem>> -> memref<1x125xi32, #tpu.memory_space<vmem>>
      %dma_wait3A_79 = tpu.memref_squeeze %dma_wait3A_78 : memref<1x125xi32, #tpu.memory_space<vmem>> -> memref<125xi32, #tpu.memory_space<vmem>>
      %dma_wait3A_80 = arith.constant 0 : i32
      %dma_wait3A_81 = arith.constant 0 : i32
      %dma_wait3A_82 = tpu.memref_slice %arg7[%dma_wait3A_80, %dma_wait3A_81] : memref<10240x128xf32, #tpu.memory_space<vmem_shared>> -> memref<10240x128xf32, #tpu.memory_space<vmem_shared>>
      tpu.wait_indirect_dma semaphore(%run_scoped3A_70 : memref<!tpu.dma_semaphore, #tpu.memory_space<semaphore_mem>>) src(%arg11 : memref<125x128xf32, #tpu.memory_space<vmem>>) dst(%dma_wait3A_82 : memref<10240x128xf32, #tpu.memory_space<vmem_shared>>)
      tpu.yield
    }) : () -> ()
    %barrier3A_69 = arith.constant 0 : index
    tpu.barrier barrier_id(%barrier3A_69)
    "tpu.region"() ({
      %run_scoped3A_70 = tpu.sem_alloc : memref<!tpu.dma_semaphore, #tpu.memory_space<semaphore_mem>>
      %dma_start3A_71 = arith.constant 0 : i32
      %dma_start3A_72 = tpu.memref_slice %arg6[%arg0, %mul3A_2, %dma_start3A_71] : memref<2x10240x128xf32, #tpu.memory_space<hbm>> -> memref<1x640x128xf32, #tpu.memory_space<hbm>>
      %dma_start3A_73 = tpu.memref_squeeze %dma_start3A_72 : memref<1x640x128xf32, #tpu.memory_space<hbm>> -> memref<640x128xf32, #tpu.memory_space<hbm>>
      %dma_start3A_74 = arith.constant 0 : i32
      %dma_start3A_75 = tpu.memref_slice %arg7[%mul3A_2, %dma_start3A_74] : memref<10240x128xf32, #tpu.memory_space<vmem_shared>> -> memref<640x128xf32, #tpu.memory_space<vmem_shared>>
      tpu.enqueue_dma source(%dma_start3A_75 : memref<640x128xf32, #tpu.memory_space<vmem_shared>>) target(%dma_start3A_73 : memref<640x128xf32, #tpu.memory_space<hbm>>) target_semaphore(%run_scoped3A_70 : memref<!tpu.dma_semaphore, #tpu.memory_space<semaphore_mem>>)
      %dma_wait3A_76 = arith.constant 0 : i32
      %dma_wait3A_77 = tpu.memref_slice %arg6[%arg0, %mul3A_2, %dma_wait3A_76] : memref<2x10240x128xf32, #tpu.memory_space<hbm>> -> memref<1x640x128xf32, #tpu.memory_space<hbm>>
      %dma_wait3A_78 = tpu.memref_squeeze %dma_wait3A_77 : memref<1x640x128xf32, #tpu.memory_space<hbm>> -> memref<640x128xf32, #tpu.memory_space<hbm>>
      %dma_wait3A_79 = arith.constant 0 : i32
      %dma_wait3A_80 = tpu.memref_slice %arg7[%mul3A_2, %dma_wait3A_79] : memref<10240x128xf32, #tpu.memory_space<vmem_shared>> -> memref<640x128xf32, #tpu.memory_space<vmem_shared>>
      tpu.wait_dma2 semaphore(%run_scoped3A_70 : memref<!tpu.dma_semaphore, #tpu.memory_space<semaphore_mem>>) src(%dma_wait3A_80 : memref<640x128xf32, #tpu.memory_space<vmem_shared>>) dst(%dma_wait3A_78 : memref<640x128xf32, #tpu.memory_space<hbm>>)
      tpu.yield
    }) : () -> ()
    return
  }
}

#map = affine_map<(d0, d1) -> (0, 0)>
#map1 = affine_map<(d0, d1) -> (0, 0, 0)>
module attributes {stable_mosaic.version = 14 : i64} {
  func.func @_seg_sum_body(%arg0: i32, %arg1: i32, %arg2: memref<10000x128xf32, #tpu.memory_space<hbm>>, %arg3: memref<32x80x125xi32, #tpu.memory_space<hbm>>, %arg4: memref<32x80x125xi32, #tpu.memory_space<hbm>>, %arg5: memref<640x128xf32, #tpu.memory_space<hbm>>, %arg6: memref<2x10240x128xf32, #tpu.memory_space<hbm>>, %arg7: memref<10240x128xf32, #tpu.memory_space<vmem_shared>>, %arg8: memref<40x125xi32, #tpu.memory_space<vmem>>, %arg9: memref<40x125xi32, #tpu.memory_space<vmem>>, %arg10: memref<125x128xf32, #tpu.memory_space<vmem>>, %arg11: memref<125x128xf32, #tpu.memory_space<vmem>>, %arg12: memref<!tpu.dma_semaphore, #tpu.memory_space<semaphore_mem>>, %arg13: memref<!tpu.dma_semaphore, #tpu.memory_space<semaphore_mem>>) attributes {dimension_semantics = [#tpu.dimension_semantics<core_parallel>, #tpu.dimension_semantics<subcore_parallel>], iteration_bounds = array<i64: 2, 16>, scalar_prefetch = 0 : i64, scratch_operands = 7 : i64, tpu.core_type = #tpu.core_type<sc_vector_subcore>, window_params = [{transform_indices = #map}, {transform_indices = #map1}, {transform_indices = #map1}, {transform_indices = #map}, {transform_indices = #map1}]} {
    %mul3A = arith.constant 16 : i32
    %mul3A_0 = arith.muli %arg0, %mul3A : i32
    %add3A = arith.addi %mul3A_0, %arg1 : i32
    %mul3A_1 = arith.constant 640 : i32
    %mul3A_2 = arith.muli %arg1, %mul3A_1 : i32
    "tpu.region"() ({
      %run_scoped3A_70 = tpu.sem_alloc : memref<!tpu.dma_semaphore, #tpu.memory_space<semaphore_mem>>
      %dma_start3A_71 = arith.constant 0 : i32
      %dma_start3A_72 = tpu.memref_slice %arg7[%mul3A_2, %dma_start3A_71] : memref<10240x128xf32, #tpu.memory_space<vmem_shared>> -> memref<640x128xf32, #tpu.memory_space<vmem_shared>>
      tpu.enqueue_dma source(%arg5 : memref<640x128xf32, #tpu.memory_space<hbm>>) target(%dma_start3A_72 : memref<640x128xf32, #tpu.memory_space<vmem_shared>>) target_semaphore(%run_scoped3A_70 : memref<!tpu.dma_semaphore, #tpu.memory_space<semaphore_mem>>)
      %dma_wait3A_73 = arith.constant 0 : i32
      %dma_wait3A_74 = tpu.memref_slice %arg7[%mul3A_2, %dma_wait3A_73] : memref<10240x128xf32, #tpu.memory_space<vmem_shared>> -> memref<640x128xf32, #tpu.memory_space<vmem_shared>>
      tpu.wait_dma2 semaphore(%run_scoped3A_70 : memref<!tpu.dma_semaphore, #tpu.memory_space<semaphore_mem>>) src(%arg5 : memref<640x128xf32, #tpu.memory_space<hbm>>) dst(%dma_wait3A_74 : memref<640x128xf32, #tpu.memory_space<vmem_shared>>)
      tpu.yield
    }) : () -> ()
    %barrier3A = arith.constant 0 : index
    tpu.barrier barrier_id(%barrier3A)
    "tpu.region"() ({
      %run_scoped3A_70 = tpu.sem_alloc : memref<!tpu.dma_semaphore, #tpu.memory_space<semaphore_mem>>
      %dma_start3A_71 = arith.constant 0 : i32
      %dma_start3A_72 = arith.constant 0 : i32
      %dma_start3A_73 = tpu.memref_slice %arg3[%add3A, %dma_start3A_71, %dma_start3A_72] : memref<32x80x125xi32, #tpu.memory_space<hbm>> -> memref<1x40x125xi32, #tpu.memory_space<hbm>>
      %dma_start3A_74 = tpu.memref_squeeze %dma_start3A_73 : memref<1x40x125xi32, #tpu.memory_space<hbm>> -> memref<40x125xi32, #tpu.memory_space<hbm>>
      %dma_start3A_75 = arith.constant 0 : i32
      %dma_start3A_76 = arith.constant 0 : i32
      %dma_start3A_77 = tpu.memref_slice %arg3[%add3A, %dma_start3A_75, %dma_start3A_76] : memref<32x80x125xi32, #tpu.memory_space<hbm>> -> memref<1x40x125xi32, #tpu.memory_space<hbm>>
      %dma_start3A_78 = tpu.memref_squeeze %dma_start3A_77 : memref<1x40x125xi32, #tpu.memory_space<hbm>> -> memref<40x125xi32, #tpu.memory_space<hbm>>
      tpu.enqueue_dma source(%dma_start3A_78 : memref<40x125xi32, #tpu.memory_space<hbm>>) target(%arg8 : memref<40x125xi32, #tpu.memory_space<vmem>>) target_semaphore(%run_scoped3A_70 : memref<!tpu.dma_semaphore, #tpu.memory_space<semaphore_mem>>)
      %dma_wait3A_79 = arith.constant 0 : i32
      %dma_wait3A_80 = arith.constant 0 : i32
      %dma_wait3A_81 = tpu.memref_slice %arg3[%add3A, %dma_wait3A_79, %dma_wait3A_80] : memref<32x80x125xi32, #tpu.memory_space<hbm>> -> memref<1x40x125xi32, #tpu.memory_space<hbm>>
      %dma_wait3A_82 = tpu.memref_squeeze %dma_wait3A_81 : memref<1x40x125xi32, #tpu.memory_space<hbm>> -> memref<40x125xi32, #tpu.memory_space<hbm>>
      %dma_wait3A_83 = arith.constant 0 : i32
      %dma_wait3A_84 = arith.constant 0 : i32
      %dma_wait3A_85 = tpu.memref_slice %arg3[%add3A, %dma_wait3A_83, %dma_wait3A_84] : memref<32x80x125xi32, #tpu.memory_space<hbm>> -> memref<1x40x125xi32, #tpu.memory_space<hbm>>
      %dma_wait3A_86 = tpu.memref_squeeze %dma_wait3A_85 : memref<1x40x125xi32, #tpu.memory_space<hbm>> -> memref<40x125xi32, #tpu.memory_space<hbm>>
      tpu.wait_dma2 semaphore(%run_scoped3A_70 : memref<!tpu.dma_semaphore, #tpu.memory_space<semaphore_mem>>) src(%dma_wait3A_86 : memref<40x125xi32, #tpu.memory_space<hbm>>) dst(%arg8 : memref<40x125xi32, #tpu.memory_space<vmem>>)
      tpu.yield
    }) : () -> ()
    "tpu.region"() ({
      %run_scoped3A_70 = tpu.sem_alloc : memref<!tpu.dma_semaphore, #tpu.memory_space<semaphore_mem>>
      %dma_start3A_71 = arith.constant 0 : i32
      %dma_start3A_72 = arith.constant 0 : i32
      %dma_start3A_73 = tpu.memref_slice %arg4[%add3A, %dma_start3A_71, %dma_start3A_72] : memref<32x80x125xi32, #tpu.memory_space<hbm>> -> memref<1x40x125xi32, #tpu.memory_space<hbm>>
      %dma_start3A_74 = tpu.memref_squeeze %dma_start3A_73 : memref<1x40x125xi32, #tpu.memory_space<hbm>> -> memref<40x125xi32, #tpu.memory_space<hbm>>
      %dma_start3A_75 = arith.constant 0 : i32
      %dma_start3A_76 = arith.constant 0 : i32
      %dma_start3A_77 = tpu.memref_slice %arg4[%add3A, %dma_start3A_75, %dma_start3A_76] : memref<32x80x125xi32, #tpu.memory_space<hbm>> -> memref<1x40x125xi32, #tpu.memory_space<hbm>>
      %dma_start3A_78 = tpu.memref_squeeze %dma_start3A_77 : memref<1x40x125xi32, #tpu.memory_space<hbm>> -> memref<40x125xi32, #tpu.memory_space<hbm>>
      tpu.enqueue_dma source(%dma_start3A_78 : memref<40x125xi32, #tpu.memory_space<hbm>>) target(%arg9 : memref<40x125xi32, #tpu.memory_space<vmem>>) target_semaphore(%run_scoped3A_70 : memref<!tpu.dma_semaphore, #tpu.memory_space<semaphore_mem>>)
      %dma_wait3A_79 = arith.constant 0 : i32
      %dma_wait3A_80 = arith.constant 0 : i32
      %dma_wait3A_81 = tpu.memref_slice %arg4[%add3A, %dma_wait3A_79, %dma_wait3A_80] : memref<32x80x125xi32, #tpu.memory_space<hbm>> -> memref<1x40x125xi32, #tpu.memory_space<hbm>>
      %dma_wait3A_82 = tpu.memref_squeeze %dma_wait3A_81 : memref<1x40x125xi32, #tpu.memory_space<hbm>> -> memref<40x125xi32, #tpu.memory_space<hbm>>
      %dma_wait3A_83 = arith.constant 0 : i32
      %dma_wait3A_84 = arith.constant 0 : i32
      %dma_wait3A_85 = tpu.memref_slice %arg4[%add3A, %dma_wait3A_83, %dma_wait3A_84] : memref<32x80x125xi32, #tpu.memory_space<hbm>> -> memref<1x40x125xi32, #tpu.memory_space<hbm>>
      %dma_wait3A_86 = tpu.memref_squeeze %dma_wait3A_85 : memref<1x40x125xi32, #tpu.memory_space<hbm>> -> memref<40x125xi32, #tpu.memory_space<hbm>>
      tpu.wait_dma2 semaphore(%run_scoped3A_70 : memref<!tpu.dma_semaphore, #tpu.memory_space<semaphore_mem>>) src(%dma_wait3A_86 : memref<40x125xi32, #tpu.memory_space<hbm>>) dst(%arg9 : memref<40x125xi32, #tpu.memory_space<vmem>>)
      tpu.yield
    }) : () -> ()
    %dma_start3A = arith.constant 0 : i32
    %dma_start3A_3 = arith.constant 0 : i32
    %dma_start3A_4 = tpu.memref_slice %arg8[%dma_start3A, %dma_start3A_3] : memref<40x125xi32, #tpu.memory_space<vmem>> -> memref<1x125xi32, #tpu.memory_space<vmem>>
    %dma_start3A_5 = tpu.memref_squeeze %dma_start3A_4 : memref<1x125xi32, #tpu.memory_space<vmem>> -> memref<125xi32, #tpu.memory_space<vmem>>
    %dma_start3A_6 = arith.constant 0 : i32
    %dma_start3A_7 = arith.constant 0 : i32
    %dma_start3A_8 = tpu.memref_slice %arg2[%dma_start3A_6, %dma_start3A_7] : memref<10000x128xf32, #tpu.memory_space<hbm>> -> memref<10000x128xf32, #tpu.memory_space<hbm>>
    tpu.enqueue_indirect_dma source(%dma_start3A_8 : memref<10000x128xf32, #tpu.memory_space<hbm>>) target(%arg10 : memref<125x128xf32, #tpu.memory_space<vmem>>) offsets(%dma_start3A_5 : memref<125xi32, #tpu.memory_space<vmem>>) semaphore(%arg12 : memref<!tpu.dma_semaphore, #tpu.memory_space<semaphore_mem>>)
    %scan3A = arith.constant 0 : i32
    %scan3A_9 = arith.constant 19 : i32
    %scan3A_10 = arith.addi %scan3A, %scan3A_9 : i32
    %scan3A_11 = arith.constant 1 : i32
    scf.for %scan3A_70 = %scan3A to %scan3A_10 step %scan3A_11  : i32 {
      %mul3A_71 = arith.constant 1 : i32
      %mul3A_72 = arith.muli %scan3A_70, %mul3A_71 : i32
      %add3A_73 = arith.constant 0 : i32
      %add3A_74 = arith.addi %add3A_73, %mul3A_72 : i32
      %mul3A_75 = arith.constant 2 : i32
      %mul3A_76 = arith.muli %mul3A_75, %add3A_74 : i32
      %add3A_77 = arith.constant 1 : i32
      %add3A_78 = arith.addi %mul3A_76, %add3A_77 : i32
      %dma_start3A_79 = arith.constant 0 : i32
      %dma_start3A_80 = tpu.memref_slice %arg8[%add3A_78, %dma_start3A_79] : memref<40x125xi32, #tpu.memory_space<vmem>> -> memref<1x125xi32, #tpu.memory_space<vmem>>
      %dma_start3A_81 = tpu.memref_squeeze %dma_start3A_80 : memref<1x125xi32, #tpu.memory_space<vmem>> -> memref<125xi32, #tpu.memory_space<vmem>>
      %dma_start3A_82 = arith.constant 0 : i32
      %dma_start3A_83 = arith.constant 0 : i32
      %dma_start3A_84 = tpu.memref_slice %arg2[%dma_start3A_82, %dma_start3A_83] : memref<10000x128xf32, #tpu.memory_space<hbm>> -> memref<10000x128xf32, #tpu.memory_space<hbm>>
      tpu.enqueue_indirect_dma source(%dma_start3A_84 : memref<10000x128xf32, #tpu.memory_space<hbm>>) target(%arg11 : memref<125x128xf32, #tpu.memory_space<vmem>>) offsets(%dma_start3A_81 : memref<125xi32, #tpu.memory_space<vmem>>) semaphore(%arg13 : memref<!tpu.dma_semaphore, #tpu.memory_space<semaphore_mem>>)
      %dma_wait3A_85 = arith.constant 0 : i32
      %dma_wait3A_86 = tpu.memref_slice %arg8[%mul3A_76, %dma_wait3A_85] : memref<40x125xi32, #tpu.memory_space<vmem>> -> memref<1x125xi32, #tpu.memory_space<vmem>>
      %dma_wait3A_87 = tpu.memref_squeeze %dma_wait3A_86 : memref<1x125xi32, #tpu.memory_space<vmem>> -> memref<125xi32, #tpu.memory_space<vmem>>
      %dma_wait3A_88 = arith.constant 0 : i32
      %dma_wait3A_89 = arith.constant 0 : i32
      %dma_wait3A_90 = tpu.memref_slice %arg2[%dma_wait3A_88, %dma_wait3A_89] : memref<10000x128xf32, #tpu.memory_space<hbm>> -> memref<10000x128xf32, #tpu.memory_space<hbm>>
      tpu.wait_indirect_dma semaphore(%arg12 : memref<!tpu.dma_semaphore, #tpu.memory_space<semaphore_mem>>) src(%dma_wait3A_90 : memref<10000x128xf32, #tpu.memory_space<hbm>>) dst(%arg10 : memref<125x128xf32, #tpu.memory_space<vmem>>)
      "tpu.region"() ({
        %run_scoped3A_109 = tpu.sem_alloc : memref<!tpu.dma_semaphore, #tpu.memory_space<semaphore_mem>>
        %dma_start3A_110 = arith.constant 0 : i32
        %dma_start3A_111 = tpu.memref_slice %arg9[%mul3A_76, %dma_start3A_110] : memref<40x125xi32, #tpu.memory_space<vmem>> -> memref<1x125xi32, #tpu.memory_space<vmem>>
        %dma_start3A_112 = tpu.memref_squeeze %dma_start3A_111 : memref<1x125xi32, #tpu.memory_space<vmem>> -> memref<125xi32, #tpu.memory_space<vmem>>
        %dma_start3A_113 = arith.constant 0 : i32
        %dma_start3A_114 = arith.constant 0 : i32
        %dma_start3A_115 = tpu.memref_slice %arg7[%dma_start3A_113, %dma_start3A_114] : memref<10240x128xf32, #tpu.memory_space<vmem_shared>> -> memref<10240x128xf32, #tpu.memory_space<vmem_shared>>
        tpu.enqueue_indirect_dma source(%arg10 : memref<125x128xf32, #tpu.memory_space<vmem>>) target(%dma_start3A_115 : memref<10240x128xf32, #tpu.memory_space<vmem_shared>>) offsets(%dma_start3A_112 : memref<125xi32, #tpu.memory_space<vmem>>) semaphore(%run_scoped3A_109 : memref<!tpu.dma_semaphore, #tpu.memory_space<semaphore_mem>>) {add = true}
        %dma_wait3A_116 = arith.constant 0 : i32
        %dma_wait3A_117 = tpu.memref_slice %arg9[%mul3A_76, %dma_wait3A_116] : memref<40x125xi32, #tpu.memory_space<vmem>> -> memref<1x125xi32, #tpu.memory_space<vmem>>
        %dma_wait3A_118 = tpu.memref_squeeze %dma_wait3A_117 : memref<1x125xi32, #tpu.memory_space<vmem>> -> memref<125xi32, #tpu.memory_space<vmem>>
        %dma_wait3A_119 = arith.constant 0 : i32
        %dma_wait3A_120 = arith.constant 0 : i32
        %dma_wait3A_121 = tpu.memref_slice %arg7[%dma_wait3A_119, %dma_wait3A_120] : memref<10240x128xf32, #tpu.memory_space<vmem_shared>> -> memref<10240x128xf32, #tpu.memory_space<vmem_shared>>
        tpu.wait_indirect_dma semaphore(%run_scoped3A_109 : memref<!tpu.dma_semaphore, #tpu.memory_space<semaphore_mem>>) src(%arg10 : memref<125x128xf32, #tpu.memory_space<vmem>>) dst(%dma_wait3A_121 : memref<10240x128xf32, #tpu.memory_space<vmem_shared>>)
        tpu.yield
      }) : () -> ()
      %add3A_91 = arith.constant 2 : i32
      %add3A_92 = arith.addi %mul3A_76, %add3A_91 : i32
      %dma_start3A_93 = arith.constant 0 : i32
      %dma_start3A_94 = tpu.memref_slice %arg8[%add3A_92, %dma_start3A_93] : memref<40x125xi32, #tpu.memory_space<vmem>> -> memref<1x125xi32, #tpu.memory_space<vmem>>
      %dma_start3A_95 = tpu.memref_squeeze %dma_start3A_94 : memref<1x125xi32, #tpu.memory_space<vmem>> -> memref<125xi32, #tpu.memory_space<vmem>>
      %dma_start3A_96 = arith.constant 0 : i32
      %dma_start3A_97 = arith.constant 0 : i32
      %dma_start3A_98 = tpu.memref_slice %arg2[%dma_start3A_96, %dma_start3A_97] : memref<10000x128xf32, #tpu.memory_space<hbm>> -> memref<10000x128xf32, #tpu.memory_space<hbm>>
      tpu.enqueue_indirect_dma source(%dma_start3A_98 : memref<10000x128xf32, #tpu.memory_space<hbm>>) target(%arg10 : memref<125x128xf32, #tpu.memory_space<vmem>>) offsets(%dma_start3A_95 : memref<125xi32, #tpu.memory_space<vmem>>) semaphore(%arg12 : memref<!tpu.dma_semaphore, #tpu.memory_space<semaphore_mem>>)
      %add3A_99 = arith.constant 1 : i32
      %add3A_100 = arith.addi %mul3A_76, %add3A_99 : i32
      %dma_wait3A_101 = arith.constant 0 : i32
      %dma_wait3A_102 = tpu.memref_slice %arg8[%add3A_100, %dma_wait3A_101] : memref<40x125xi32, #tpu.memory_space<vmem>> -> memref<1x125xi32, #tpu.memory_space<vmem>>
      %dma_wait3A_103 = tpu.memref_squeeze %dma_wait3A_102 : memref<1x125xi32, #tpu.memory_space<vmem>> -> memref<125xi32, #tpu.memory_space<vmem>>
      %dma_wait3A_104 = arith.constant 0 : i32
      %dma_wait3A_105 = arith.constant 0 : i32
      %dma_wait3A_106 = tpu.memref_slice %arg2[%dma_wait3A_104, %dma_wait3A_105] : memref<10000x128xf32, #tpu.memory_space<hbm>> -> memref<10000x128xf32, #tpu.memory_space<hbm>>
      tpu.wait_indirect_dma semaphore(%arg13 : memref<!tpu.dma_semaphore, #tpu.memory_space<semaphore_mem>>) src(%dma_wait3A_106 : memref<10000x128xf32, #tpu.memory_space<hbm>>) dst(%arg11 : memref<125x128xf32, #tpu.memory_space<vmem>>)
      %add3A_107 = arith.constant 1 : i32
      %add3A_108 = arith.addi %mul3A_76, %add3A_107 : i32
      "tpu.region"() ({
        %run_scoped3A_109 = tpu.sem_alloc : memref<!tpu.dma_semaphore, #tpu.memory_space<semaphore_mem>>
        %dma_start3A_110 = arith.constant 0 : i32
        %dma_start3A_111 = tpu.memref_slice %arg9[%add3A_108, %dma_start3A_110] : memref<40x125xi32, #tpu.memory_space<vmem>> -> memref<1x125xi32, #tpu.memory_space<vmem>>
        %dma_start3A_112 = tpu.memref_squeeze %dma_start3A_111 : memref<1x125xi32, #tpu.memory_space<vmem>> -> memref<125xi32, #tpu.memory_space<vmem>>
        %dma_start3A_113 = arith.constant 0 : i32
        %dma_start3A_114 = arith.constant 0 : i32
        %dma_start3A_115 = tpu.memref_slice %arg7[%dma_start3A_113, %dma_start3A_114] : memref<10240x128xf32, #tpu.memory_space<vmem_shared>> -> memref<10240x128xf32, #tpu.memory_space<vmem_shared>>
        tpu.enqueue_indirect_dma source(%arg11 : memref<125x128xf32, #tpu.memory_space<vmem>>) target(%dma_start3A_115 : memref<10240x128xf32, #tpu.memory_space<vmem_shared>>) offsets(%dma_start3A_112 : memref<125xi32, #tpu.memory_space<vmem>>) semaphore(%run_scoped3A_109 : memref<!tpu.dma_semaphore, #tpu.memory_space<semaphore_mem>>) {add = true}
        %dma_wait3A_116 = arith.constant 0 : i32
        %dma_wait3A_117 = tpu.memref_slice %arg9[%add3A_108, %dma_wait3A_116] : memref<40x125xi32, #tpu.memory_space<vmem>> -> memref<1x125xi32, #tpu.memory_space<vmem>>
        %dma_wait3A_118 = tpu.memref_squeeze %dma_wait3A_117 : memref<1x125xi32, #tpu.memory_space<vmem>> -> memref<125xi32, #tpu.memory_space<vmem>>
        %dma_wait3A_119 = arith.constant 0 : i32
        %dma_wait3A_120 = arith.constant 0 : i32
        %dma_wait3A_121 = tpu.memref_slice %arg7[%dma_wait3A_119, %dma_wait3A_120] : memref<10240x128xf32, #tpu.memory_space<vmem_shared>> -> memref<10240x128xf32, #tpu.memory_space<vmem_shared>>
        tpu.wait_indirect_dma semaphore(%run_scoped3A_109 : memref<!tpu.dma_semaphore, #tpu.memory_space<semaphore_mem>>) src(%arg11 : memref<125x128xf32, #tpu.memory_space<vmem>>) dst(%dma_wait3A_121 : memref<10240x128xf32, #tpu.memory_space<vmem_shared>>)
        tpu.yield
      }) : () -> ()
    }
    %scan3A_12 = arith.constant 19 : i32
    %dma_start3A_13 = arith.constant 39 : i32
    %dma_start3A_14 = arith.constant 0 : i32
    %dma_start3A_15 = tpu.memref_slice %arg8[%dma_start3A_13, %dma_start3A_14] : memref<40x125xi32, #tpu.memory_space<vmem>> -> memref<1x125xi32, #tpu.memory_space<vmem>>
    %dma_start3A_16 = tpu.memref_squeeze %dma_start3A_15 : memref<1x125xi32, #tpu.memory_space<vmem>> -> memref<125xi32, #tpu.memory_space<vmem>>
    %dma_start3A_17 = arith.constant 0 : i32
    %dma_start3A_18 = arith.constant 0 : i32
    %dma_start3A_19 = tpu.memref_slice %arg2[%dma_start3A_17, %dma_start3A_18] : memref<10000x128xf32, #tpu.memory_space<hbm>> -> memref<10000x128xf32, #tpu.memory_space<hbm>>
    tpu.enqueue_indirect_dma source(%dma_start3A_19 : memref<10000x128xf32, #tpu.memory_space<hbm>>) target(%arg11 : memref<125x128xf32, #tpu.memory_space<vmem>>) offsets(%dma_start3A_16 : memref<125xi32, #tpu.memory_space<vmem>>) semaphore(%arg13 : memref<!tpu.dma_semaphore, #tpu.memory_space<semaphore_mem>>)
    %dma_wait3A = arith.constant 38 : i32
    %dma_wait3A_20 = arith.constant 0 : i32
    %dma_wait3A_21 = tpu.memref_slice %arg8[%dma_wait3A, %dma_wait3A_20] : memref<40x125xi32, #tpu.memory_space<vmem>> -> memref<1x125xi32, #tpu.memory_space<vmem>>
    %dma_wait3A_22 = tpu.memref_squeeze %dma_wait3A_21 : memref<1x125xi32, #tpu.memory_space<vmem>> -> memref<125xi32, #tpu.memory_space<vmem>>
    %dma_wait3A_23 = arith.constant 0 : i32
    %dma_wait3A_24 = arith.constant 0 : i32
    %dma_wait3A_25 = tpu.memref_slice %arg2[%dma_wait3A_23, %dma_wait3A_24] : memref<10000x128xf32, #tpu.memory_space<hbm>> -> memref<10000x128xf32, #tpu.memory_space<hbm>>
    tpu.wait_indirect_dma semaphore(%arg12 : memref<!tpu.dma_semaphore, #tpu.memory_space<semaphore_mem>>) src(%dma_wait3A_25 : memref<10000x128xf32, #tpu.memory_space<hbm>>) dst(%arg10 : memref<125x128xf32, #tpu.memory_space<vmem>>)
    %run_scoped3A = arith.constant 38 : i32
    "tpu.region"() ({
      %run_scoped3A_70 = tpu.sem_alloc : memref<!tpu.dma_semaphore, #tpu.memory_space<semaphore_mem>>
      %dma_start3A_71 = arith.constant 0 : i32
      %dma_start3A_72 = tpu.memref_slice %arg9[%run_scoped3A, %dma_start3A_71] : memref<40x125xi32, #tpu.memory_space<vmem>> -> memref<1x125xi32, #tpu.memory_space<vmem>>
      %dma_start3A_73 = tpu.memref_squeeze %dma_start3A_72 : memref<1x125xi32, #tpu.memory_space<vmem>> -> memref<125xi32, #tpu.memory_space<vmem>>
      %dma_start3A_74 = arith.constant 0 : i32
      %dma_start3A_75 = arith.constant 0 : i32
      %dma_start3A_76 = tpu.memref_slice %arg7[%dma_start3A_74, %dma_start3A_75] : memref<10240x128xf32, #tpu.memory_space<vmem_shared>> -> memref<10240x128xf32, #tpu.memory_space<vmem_shared>>
      tpu.enqueue_indirect_dma source(%arg10 : memref<125x128xf32, #tpu.memory_space<vmem>>) target(%dma_start3A_76 : memref<10240x128xf32, #tpu.memory_space<vmem_shared>>) offsets(%dma_start3A_73 : memref<125xi32, #tpu.memory_space<vmem>>) semaphore(%run_scoped3A_70 : memref<!tpu.dma_semaphore, #tpu.memory_space<semaphore_mem>>) {add = true}
      %dma_wait3A_77 = arith.constant 0 : i32
      %dma_wait3A_78 = tpu.memref_slice %arg9[%run_scoped3A, %dma_wait3A_77] : memref<40x125xi32, #tpu.memory_space<vmem>> -> memref<1x125xi32, #tpu.memory_space<vmem>>
      %dma_wait3A_79 = tpu.memref_squeeze %dma_wait3A_78 : memref<1x125xi32, #tpu.memory_space<vmem>> -> memref<125xi32, #tpu.memory_space<vmem>>
      %dma_wait3A_80 = arith.constant 0 : i32
      %dma_wait3A_81 = arith.constant 0 : i32
      %dma_wait3A_82 = tpu.memref_slice %arg7[%dma_wait3A_80, %dma_wait3A_81] : memref<10240x128xf32, #tpu.memory_space<vmem_shared>> -> memref<10240x128xf32, #tpu.memory_space<vmem_shared>>
      tpu.wait_indirect_dma semaphore(%run_scoped3A_70 : memref<!tpu.dma_semaphore, #tpu.memory_space<semaphore_mem>>) src(%arg10 : memref<125x128xf32, #tpu.memory_space<vmem>>) dst(%dma_wait3A_82 : memref<10240x128xf32, #tpu.memory_space<vmem_shared>>)
      tpu.yield
    }) : () -> ()
    %dma_wait3A_26 = arith.constant 39 : i32
    %dma_wait3A_27 = arith.constant 0 : i32
    %dma_wait3A_28 = tpu.memref_slice %arg8[%dma_wait3A_26, %dma_wait3A_27] : memref<40x125xi32, #tpu.memory_space<vmem>> -> memref<1x125xi32, #tpu.memory_space<vmem>>
    %dma_wait3A_29 = tpu.memref_squeeze %dma_wait3A_28 : memref<1x125xi32, #tpu.memory_space<vmem>> -> memref<125xi32, #tpu.memory_space<vmem>>
    %dma_wait3A_30 = arith.constant 0 : i32
    %dma_wait3A_31 = arith.constant 0 : i32
    %dma_wait3A_32 = tpu.memref_slice %arg2[%dma_wait3A_30, %dma_wait3A_31] : memref<10000x128xf32, #tpu.memory_space<hbm>> -> memref<10000x128xf32, #tpu.memory_space<hbm>>
    tpu.wait_indirect_dma semaphore(%arg13 : memref<!tpu.dma_semaphore, #tpu.memory_space<semaphore_mem>>) src(%dma_wait3A_32 : memref<10000x128xf32, #tpu.memory_space<hbm>>) dst(%arg11 : memref<125x128xf32, #tpu.memory_space<vmem>>)
    %run_scoped3A_33 = arith.constant 39 : i32
    "tpu.region"() ({
      %run_scoped3A_70 = tpu.sem_alloc : memref<!tpu.dma_semaphore, #tpu.memory_space<semaphore_mem>>
      %dma_start3A_71 = arith.constant 0 : i32
      %dma_start3A_72 = tpu.memref_slice %arg9[%run_scoped3A_33, %dma_start3A_71] : memref<40x125xi32, #tpu.memory_space<vmem>> -> memref<1x125xi32, #tpu.memory_space<vmem>>
      %dma_start3A_73 = tpu.memref_squeeze %dma_start3A_72 : memref<1x125xi32, #tpu.memory_space<vmem>> -> memref<125xi32, #tpu.memory_space<vmem>>
      %dma_start3A_74 = arith.constant 0 : i32
      %dma_start3A_75 = arith.constant 0 : i32
      %dma_start3A_76 = tpu.memref_slice %arg7[%dma_start3A_74, %dma_start3A_75] : memref<10240x128xf32, #tpu.memory_space<vmem_shared>> -> memref<10240x128xf32, #tpu.memory_space<vmem_shared>>
      tpu.enqueue_indirect_dma source(%arg11 : memref<125x128xf32, #tpu.memory_space<vmem>>) target(%dma_start3A_76 : memref<10240x128xf32, #tpu.memory_space<vmem_shared>>) offsets(%dma_start3A_73 : memref<125xi32, #tpu.memory_space<vmem>>) semaphore(%run_scoped3A_70 : memref<!tpu.dma_semaphore, #tpu.memory_space<semaphore_mem>>) {add = true}
      %dma_wait3A_77 = arith.constant 0 : i32
      %dma_wait3A_78 = tpu.memref_slice %arg9[%run_scoped3A_33, %dma_wait3A_77] : memref<40x125xi32, #tpu.memory_space<vmem>> -> memref<1x125xi32, #tpu.memory_space<vmem>>
      %dma_wait3A_79 = tpu.memref_squeeze %dma_wait3A_78 : memref<1x125xi32, #tpu.memory_space<vmem>> -> memref<125xi32, #tpu.memory_space<vmem>>
      %dma_wait3A_80 = arith.constant 0 : i32
      %dma_wait3A_81 = arith.constant 0 : i32
      %dma_wait3A_82 = tpu.memref_slice %arg7[%dma_wait3A_80, %dma_wait3A_81] : memref<10240x128xf32, #tpu.memory_space<vmem_shared>> -> memref<10240x128xf32, #tpu.memory_space<vmem_shared>>
      tpu.wait_indirect_dma semaphore(%run_scoped3A_70 : memref<!tpu.dma_semaphore, #tpu.memory_space<semaphore_mem>>) src(%arg11 : memref<125x128xf32, #tpu.memory_space<vmem>>) dst(%dma_wait3A_82 : memref<10240x128xf32, #tpu.memory_space<vmem_shared>>)
      tpu.yield
    }) : () -> ()
    "tpu.region"() ({
      %run_scoped3A_70 = tpu.sem_alloc : memref<!tpu.dma_semaphore, #tpu.memory_space<semaphore_mem>>
      %dma_start3A_71 = arith.constant 40 : i32
      %dma_start3A_72 = arith.constant 0 : i32
      %dma_start3A_73 = tpu.memref_slice %arg3[%add3A, %dma_start3A_71, %dma_start3A_72] : memref<32x80x125xi32, #tpu.memory_space<hbm>> -> memref<1x40x125xi32, #tpu.memory_space<hbm>>
      %dma_start3A_74 = tpu.memref_squeeze %dma_start3A_73 : memref<1x40x125xi32, #tpu.memory_space<hbm>> -> memref<40x125xi32, #tpu.memory_space<hbm>>
      %dma_start3A_75 = arith.constant 40 : i32
      %dma_start3A_76 = arith.constant 0 : i32
      %dma_start3A_77 = tpu.memref_slice %arg3[%add3A, %dma_start3A_75, %dma_start3A_76] : memref<32x80x125xi32, #tpu.memory_space<hbm>> -> memref<1x40x125xi32, #tpu.memory_space<hbm>>
      %dma_start3A_78 = tpu.memref_squeeze %dma_start3A_77 : memref<1x40x125xi32, #tpu.memory_space<hbm>> -> memref<40x125xi32, #tpu.memory_space<hbm>>
      tpu.enqueue_dma source(%dma_start3A_78 : memref<40x125xi32, #tpu.memory_space<hbm>>) target(%arg8 : memref<40x125xi32, #tpu.memory_space<vmem>>) target_semaphore(%run_scoped3A_70 : memref<!tpu.dma_semaphore, #tpu.memory_space<semaphore_mem>>)
      %dma_wait3A_79 = arith.constant 40 : i32
      %dma_wait3A_80 = arith.constant 0 : i32
      %dma_wait3A_81 = tpu.memref_slice %arg3[%add3A, %dma_wait3A_79, %dma_wait3A_80] : memref<32x80x125xi32, #tpu.memory_space<hbm>> -> memref<1x40x125xi32, #tpu.memory_space<hbm>>
      %dma_wait3A_82 = tpu.memref_squeeze %dma_wait3A_81 : memref<1x40x125xi32, #tpu.memory_space<hbm>> -> memref<40x125xi32, #tpu.memory_space<hbm>>
      %dma_wait3A_83 = arith.constant 40 : i32
      %dma_wait3A_84 = arith.constant 0 : i32
      %dma_wait3A_85 = tpu.memref_slice %arg3[%add3A, %dma_wait3A_83, %dma_wait3A_84] : memref<32x80x125xi32, #tpu.memory_space<hbm>> -> memref<1x40x125xi32, #tpu.memory_space<hbm>>
      %dma_wait3A_86 = tpu.memref_squeeze %dma_wait3A_85 : memref<1x40x125xi32, #tpu.memory_space<hbm>> -> memref<40x125xi32, #tpu.memory_space<hbm>>
      tpu.wait_dma2 semaphore(%run_scoped3A_70 : memref<!tpu.dma_semaphore, #tpu.memory_space<semaphore_mem>>) src(%dma_wait3A_86 : memref<40x125xi32, #tpu.memory_space<hbm>>) dst(%arg8 : memref<40x125xi32, #tpu.memory_space<vmem>>)
      tpu.yield
    }) : () -> ()
    "tpu.region"() ({
      %run_scoped3A_70 = tpu.sem_alloc : memref<!tpu.dma_semaphore, #tpu.memory_space<semaphore_mem>>
      %dma_start3A_71 = arith.constant 40 : i32
      %dma_start3A_72 = arith.constant 0 : i32
      %dma_start3A_73 = tpu.memref_slice %arg4[%add3A, %dma_start3A_71, %dma_start3A_72] : memref<32x80x125xi32, #tpu.memory_space<hbm>> -> memref<1x40x125xi32, #tpu.memory_space<hbm>>
      %dma_start3A_74 = tpu.memref_squeeze %dma_start3A_73 : memref<1x40x125xi32, #tpu.memory_space<hbm>> -> memref<40x125xi32, #tpu.memory_space<hbm>>
      %dma_start3A_75 = arith.constant 40 : i32
      %dma_start3A_76 = arith.constant 0 : i32
      %dma_start3A_77 = tpu.memref_slice %arg4[%add3A, %dma_start3A_75, %dma_start3A_76] : memref<32x80x125xi32, #tpu.memory_space<hbm>> -> memref<1x40x125xi32, #tpu.memory_space<hbm>>
      %dma_start3A_78 = tpu.memref_squeeze %dma_start3A_77 : memref<1x40x125xi32, #tpu.memory_space<hbm>> -> memref<40x125xi32, #tpu.memory_space<hbm>>
      tpu.enqueue_dma source(%dma_start3A_78 : memref<40x125xi32, #tpu.memory_space<hbm>>) target(%arg9 : memref<40x125xi32, #tpu.memory_space<vmem>>) target_semaphore(%run_scoped3A_70 : memref<!tpu.dma_semaphore, #tpu.memory_space<semaphore_mem>>)
      %dma_wait3A_79 = arith.constant 40 : i32
      %dma_wait3A_80 = arith.constant 0 : i32
      %dma_wait3A_81 = tpu.memref_slice %arg4[%add3A, %dma_wait3A_79, %dma_wait3A_80] : memref<32x80x125xi32, #tpu.memory_space<hbm>> -> memref<1x40x125xi32, #tpu.memory_space<hbm>>
      %dma_wait3A_82 = tpu.memref_squeeze %dma_wait3A_81 : memref<1x40x125xi32, #tpu.memory_space<hbm>> -> memref<40x125xi32, #tpu.memory_space<hbm>>
      %dma_wait3A_83 = arith.constant 40 : i32
      %dma_wait3A_84 = arith.constant 0 : i32
      %dma_wait3A_85 = tpu.memref_slice %arg4[%add3A, %dma_wait3A_83, %dma_wait3A_84] : memref<32x80x125xi32, #tpu.memory_space<hbm>> -> memref<1x40x125xi32, #tpu.memory_space<hbm>>
      %dma_wait3A_86 = tpu.memref_squeeze %dma_wait3A_85 : memref<1x40x125xi32, #tpu.memory_space<hbm>> -> memref<40x125xi32, #tpu.memory_space<hbm>>
      tpu.wait_dma2 semaphore(%run_scoped3A_70 : memref<!tpu.dma_semaphore, #tpu.memory_space<semaphore_mem>>) src(%dma_wait3A_86 : memref<40x125xi32, #tpu.memory_space<hbm>>) dst(%arg9 : memref<40x125xi32, #tpu.memory_space<vmem>>)
      tpu.yield
    }) : () -> ()
    %dma_start3A_34 = arith.constant 0 : i32
    %dma_start3A_35 = arith.constant 0 : i32
    %dma_start3A_36 = tpu.memref_slice %arg8[%dma_start3A_34, %dma_start3A_35] : memref<40x125xi32, #tpu.memory_space<vmem>> -> memref<1x125xi32, #tpu.memory_space<vmem>>
    %dma_start3A_37 = tpu.memref_squeeze %dma_start3A_36 : memref<1x125xi32, #tpu.memory_space<vmem>> -> memref<125xi32, #tpu.memory_space<vmem>>
    %dma_start3A_38 = arith.constant 0 : i32
    %dma_start3A_39 = arith.constant 0 : i32
    %dma_start3A_40 = tpu.memref_slice %arg2[%dma_start3A_38, %dma_start3A_39] : memref<10000x128xf32, #tpu.memory_space<hbm>> -> memref<10000x128xf32, #tpu.memory_space<hbm>>
    tpu.enqueue_indirect_dma source(%dma_start3A_40 : memref<10000x128xf32, #tpu.memory_space<hbm>>) target(%arg10 : memref<125x128xf32, #tpu.memory_space<vmem>>) offsets(%dma_start3A_37 : memref<125xi32, #tpu.memory_space<vmem>>) semaphore(%arg12 : memref<!tpu.dma_semaphore, #tpu.memory_space<semaphore_mem>>)
    %scan3A_41 = arith.constant 0 : i32
    %scan3A_42 = arith.constant 19 : i32
    %scan3A_43 = arith.addi %scan3A_41, %scan3A_42 : i32
    %scan3A_44 = arith.constant 1 : i32
    scf.for %scan3A_70 = %scan3A_41 to %scan3A_43 step %scan3A_44  : i32 {
      %mul3A_71 = arith.constant 1 : i32
      %mul3A_72 = arith.muli %scan3A_70, %mul3A_71 : i32
      %add3A_73 = arith.constant 0 : i32
      %add3A_74 = arith.addi %add3A_73, %mul3A_72 : i32
      %mul3A_75 = arith.constant 2 : i32
      %mul3A_76 = arith.muli %mul3A_75, %add3A_74 : i32
      %add3A_77 = arith.constant 1 : i32
      %add3A_78 = arith.addi %mul3A_76, %add3A_77 : i32
      %dma_start3A_79 = arith.constant 0 : i32
      %dma_start3A_80 = tpu.memref_slice %arg8[%add3A_78, %dma_start3A_79] : memref<40x125xi32, #tpu.memory_space<vmem>> -> memref<1x125xi32, #tpu.memory_space<vmem>>
      %dma_start3A_81 = tpu.memref_squeeze %dma_start3A_80 : memref<1x125xi32, #tpu.memory_space<vmem>> -> memref<125xi32, #tpu.memory_space<vmem>>
      %dma_start3A_82 = arith.constant 0 : i32
      %dma_start3A_83 = arith.constant 0 : i32
      %dma_start3A_84 = tpu.memref_slice %arg2[%dma_start3A_82, %dma_start3A_83] : memref<10000x128xf32, #tpu.memory_space<hbm>> -> memref<10000x128xf32, #tpu.memory_space<hbm>>
      tpu.enqueue_indirect_dma source(%dma_start3A_84 : memref<10000x128xf32, #tpu.memory_space<hbm>>) target(%arg11 : memref<125x128xf32, #tpu.memory_space<vmem>>) offsets(%dma_start3A_81 : memref<125xi32, #tpu.memory_space<vmem>>) semaphore(%arg13 : memref<!tpu.dma_semaphore, #tpu.memory_space<semaphore_mem>>)
      %dma_wait3A_85 = arith.constant 0 : i32
      %dma_wait3A_86 = tpu.memref_slice %arg8[%mul3A_76, %dma_wait3A_85] : memref<40x125xi32, #tpu.memory_space<vmem>> -> memref<1x125xi32, #tpu.memory_space<vmem>>
      %dma_wait3A_87 = tpu.memref_squeeze %dma_wait3A_86 : memref<1x125xi32, #tpu.memory_space<vmem>> -> memref<125xi32, #tpu.memory_space<vmem>>
      %dma_wait3A_88 = arith.constant 0 : i32
      %dma_wait3A_89 = arith.constant 0 : i32
      %dma_wait3A_90 = tpu.memref_slice %arg2[%dma_wait3A_88, %dma_wait3A_89] : memref<10000x128xf32, #tpu.memory_space<hbm>> -> memref<10000x128xf32, #tpu.memory_space<hbm>>
      tpu.wait_indirect_dma semaphore(%arg12 : memref<!tpu.dma_semaphore, #tpu.memory_space<semaphore_mem>>) src(%dma_wait3A_90 : memref<10000x128xf32, #tpu.memory_space<hbm>>) dst(%arg10 : memref<125x128xf32, #tpu.memory_space<vmem>>)
      "tpu.region"() ({
        %run_scoped3A_109 = tpu.sem_alloc : memref<!tpu.dma_semaphore, #tpu.memory_space<semaphore_mem>>
        %dma_start3A_110 = arith.constant 0 : i32
        %dma_start3A_111 = tpu.memref_slice %arg9[%mul3A_76, %dma_start3A_110] : memref<40x125xi32, #tpu.memory_space<vmem>> -> memref<1x125xi32, #tpu.memory_space<vmem>>
        %dma_start3A_112 = tpu.memref_squeeze %dma_start3A_111 : memref<1x125xi32, #tpu.memory_space<vmem>> -> memref<125xi32, #tpu.memory_space<vmem>>
        %dma_start3A_113 = arith.constant 0 : i32
        %dma_start3A_114 = arith.constant 0 : i32
        %dma_start3A_115 = tpu.memref_slice %arg7[%dma_start3A_113, %dma_start3A_114] : memref<10240x128xf32, #tpu.memory_space<vmem_shared>> -> memref<10240x128xf32, #tpu.memory_space<vmem_shared>>
        tpu.enqueue_indirect_dma source(%arg10 : memref<125x128xf32, #tpu.memory_space<vmem>>) target(%dma_start3A_115 : memref<10240x128xf32, #tpu.memory_space<vmem_shared>>) offsets(%dma_start3A_112 : memref<125xi32, #tpu.memory_space<vmem>>) semaphore(%run_scoped3A_109 : memref<!tpu.dma_semaphore, #tpu.memory_space<semaphore_mem>>) {add = true}
        %dma_wait3A_116 = arith.constant 0 : i32
        %dma_wait3A_117 = tpu.memref_slice %arg9[%mul3A_76, %dma_wait3A_116] : memref<40x125xi32, #tpu.memory_space<vmem>> -> memref<1x125xi32, #tpu.memory_space<vmem>>
        %dma_wait3A_118 = tpu.memref_squeeze %dma_wait3A_117 : memref<1x125xi32, #tpu.memory_space<vmem>> -> memref<125xi32, #tpu.memory_space<vmem>>
        %dma_wait3A_119 = arith.constant 0 : i32
        %dma_wait3A_120 = arith.constant 0 : i32
        %dma_wait3A_121 = tpu.memref_slice %arg7[%dma_wait3A_119, %dma_wait3A_120] : memref<10240x128xf32, #tpu.memory_space<vmem_shared>> -> memref<10240x128xf32, #tpu.memory_space<vmem_shared>>
        tpu.wait_indirect_dma semaphore(%run_scoped3A_109 : memref<!tpu.dma_semaphore, #tpu.memory_space<semaphore_mem>>) src(%arg10 : memref<125x128xf32, #tpu.memory_space<vmem>>) dst(%dma_wait3A_121 : memref<10240x128xf32, #tpu.memory_space<vmem_shared>>)
        tpu.yield
      }) : () -> ()
      %add3A_91 = arith.constant 2 : i32
      %add3A_92 = arith.addi %mul3A_76, %add3A_91 : i32
      %dma_start3A_93 = arith.constant 0 : i32
      %dma_start3A_94 = tpu.memref_slice %arg8[%add3A_92, %dma_start3A_93] : memref<40x125xi32, #tpu.memory_space<vmem>> -> memref<1x125xi32, #tpu.memory_space<vmem>>
      %dma_start3A_95 = tpu.memref_squeeze %dma_start3A_94 : memref<1x125xi32, #tpu.memory_space<vmem>> -> memref<125xi32, #tpu.memory_space<vmem>>
      %dma_start3A_96 = arith.constant 0 : i32
      %dma_start3A_97 = arith.constant 0 : i32
      %dma_start3A_98 = tpu.memref_slice %arg2[%dma_start3A_96, %dma_start3A_97] : memref<10000x128xf32, #tpu.memory_space<hbm>> -> memref<10000x128xf32, #tpu.memory_space<hbm>>
      tpu.enqueue_indirect_dma source(%dma_start3A_98 : memref<10000x128xf32, #tpu.memory_space<hbm>>) target(%arg10 : memref<125x128xf32, #tpu.memory_space<vmem>>) offsets(%dma_start3A_95 : memref<125xi32, #tpu.memory_space<vmem>>) semaphore(%arg12 : memref<!tpu.dma_semaphore, #tpu.memory_space<semaphore_mem>>)
      %add3A_99 = arith.constant 1 : i32
      %add3A_100 = arith.addi %mul3A_76, %add3A_99 : i32
      %dma_wait3A_101 = arith.constant 0 : i32
      %dma_wait3A_102 = tpu.memref_slice %arg8[%add3A_100, %dma_wait3A_101] : memref<40x125xi32, #tpu.memory_space<vmem>> -> memref<1x125xi32, #tpu.memory_space<vmem>>
      %dma_wait3A_103 = tpu.memref_squeeze %dma_wait3A_102 : memref<1x125xi32, #tpu.memory_space<vmem>> -> memref<125xi32, #tpu.memory_space<vmem>>
      %dma_wait3A_104 = arith.constant 0 : i32
      %dma_wait3A_105 = arith.constant 0 : i32
      %dma_wait3A_106 = tpu.memref_slice %arg2[%dma_wait3A_104, %dma_wait3A_105] : memref<10000x128xf32, #tpu.memory_space<hbm>> -> memref<10000x128xf32, #tpu.memory_space<hbm>>
      tpu.wait_indirect_dma semaphore(%arg13 : memref<!tpu.dma_semaphore, #tpu.memory_space<semaphore_mem>>) src(%dma_wait3A_106 : memref<10000x128xf32, #tpu.memory_space<hbm>>) dst(%arg11 : memref<125x128xf32, #tpu.memory_space<vmem>>)
      %add3A_107 = arith.constant 1 : i32
      %add3A_108 = arith.addi %mul3A_76, %add3A_107 : i32
      "tpu.region"() ({
        %run_scoped3A_109 = tpu.sem_alloc : memref<!tpu.dma_semaphore, #tpu.memory_space<semaphore_mem>>
        %dma_start3A_110 = arith.constant 0 : i32
        %dma_start3A_111 = tpu.memref_slice %arg9[%add3A_108, %dma_start3A_110] : memref<40x125xi32, #tpu.memory_space<vmem>> -> memref<1x125xi32, #tpu.memory_space<vmem>>
        %dma_start3A_112 = tpu.memref_squeeze %dma_start3A_111 : memref<1x125xi32, #tpu.memory_space<vmem>> -> memref<125xi32, #tpu.memory_space<vmem>>
        %dma_start3A_113 = arith.constant 0 : i32
        %dma_start3A_114 = arith.constant 0 : i32
        %dma_start3A_115 = tpu.memref_slice %arg7[%dma_start3A_113, %dma_start3A_114] : memref<10240x128xf32, #tpu.memory_space<vmem_shared>> -> memref<10240x128xf32, #tpu.memory_space<vmem_shared>>
        tpu.enqueue_indirect_dma source(%arg11 : memref<125x128xf32, #tpu.memory_space<vmem>>) target(%dma_start3A_115 : memref<10240x128xf32, #tpu.memory_space<vmem_shared>>) offsets(%dma_start3A_112 : memref<125xi32, #tpu.memory_space<vmem>>) semaphore(%run_scoped3A_109 : memref<!tpu.dma_semaphore, #tpu.memory_space<semaphore_mem>>) {add = true}
        %dma_wait3A_116 = arith.constant 0 : i32
        %dma_wait3A_117 = tpu.memref_slice %arg9[%add3A_108, %dma_wait3A_116] : memref<40x125xi32, #tpu.memory_space<vmem>> -> memref<1x125xi32, #tpu.memory_space<vmem>>
        %dma_wait3A_118 = tpu.memref_squeeze %dma_wait3A_117 : memref<1x125xi32, #tpu.memory_space<vmem>> -> memref<125xi32, #tpu.memory_space<vmem>>
        %dma_wait3A_119 = arith.constant 0 : i32
        %dma_wait3A_120 = arith.constant 0 : i32
        %dma_wait3A_121 = tpu.memref_slice %arg7[%dma_wait3A_119, %dma_wait3A_120] : memref<10240x128xf32, #tpu.memory_space<vmem_shared>> -> memref<10240x128xf32, #tpu.memory_space<vmem_shared>>
        tpu.wait_indirect_dma semaphore(%run_scoped3A_109 : memref<!tpu.dma_semaphore, #tpu.memory_space<semaphore_mem>>) src(%arg11 : memref<125x128xf32, #tpu.memory_space<vmem>>) dst(%dma_wait3A_121 : memref<10240x128xf32, #tpu.memory_space<vmem_shared>>)
        tpu.yield
      }) : () -> ()
    }
    %scan3A_45 = arith.constant 19 : i32
    %dma_start3A_46 = arith.constant 39 : i32
    %dma_start3A_47 = arith.constant 0 : i32
    %dma_start3A_48 = tpu.memref_slice %arg8[%dma_start3A_46, %dma_start3A_47] : memref<40x125xi32, #tpu.memory_space<vmem>> -> memref<1x125xi32, #tpu.memory_space<vmem>>
    %dma_start3A_49 = tpu.memref_squeeze %dma_start3A_48 : memref<1x125xi32, #tpu.memory_space<vmem>> -> memref<125xi32, #tpu.memory_space<vmem>>
    %dma_start3A_50 = arith.constant 0 : i32
    %dma_start3A_51 = arith.constant 0 : i32
    %dma_start3A_52 = tpu.memref_slice %arg2[%dma_start3A_50, %dma_start3A_51] : memref<10000x128xf32, #tpu.memory_space<hbm>> -> memref<10000x128xf32, #tpu.memory_space<hbm>>
    tpu.enqueue_indirect_dma source(%dma_start3A_52 : memref<10000x128xf32, #tpu.memory_space<hbm>>) target(%arg11 : memref<125x128xf32, #tpu.memory_space<vmem>>) offsets(%dma_start3A_49 : memref<125xi32, #tpu.memory_space<vmem>>) semaphore(%arg13 : memref<!tpu.dma_semaphore, #tpu.memory_space<semaphore_mem>>)
    %dma_wait3A_53 = arith.constant 38 : i32
    %dma_wait3A_54 = arith.constant 0 : i32
    %dma_wait3A_55 = tpu.memref_slice %arg8[%dma_wait3A_53, %dma_wait3A_54] : memref<40x125xi32, #tpu.memory_space<vmem>> -> memref<1x125xi32, #tpu.memory_space<vmem>>
    %dma_wait3A_56 = tpu.memref_squeeze %dma_wait3A_55 : memref<1x125xi32, #tpu.memory_space<vmem>> -> memref<125xi32, #tpu.memory_space<vmem>>
    %dma_wait3A_57 = arith.constant 0 : i32
    %dma_wait3A_58 = arith.constant 0 : i32
    %dma_wait3A_59 = tpu.memref_slice %arg2[%dma_wait3A_57, %dma_wait3A_58] : memref<10000x128xf32, #tpu.memory_space<hbm>> -> memref<10000x128xf32, #tpu.memory_space<hbm>>
    tpu.wait_indirect_dma semaphore(%arg12 : memref<!tpu.dma_semaphore, #tpu.memory_space<semaphore_mem>>) src(%dma_wait3A_59 : memref<10000x128xf32, #tpu.memory_space<hbm>>) dst(%arg10 : memref<125x128xf32, #tpu.memory_space<vmem>>)
    %run_scoped3A_60 = arith.constant 38 : i32
    "tpu.region"() ({
      %run_scoped3A_70 = tpu.sem_alloc : memref<!tpu.dma_semaphore, #tpu.memory_space<semaphore_mem>>
      %dma_start3A_71 = arith.constant 0 : i32
      %dma_start3A_72 = tpu.memref_slice %arg9[%run_scoped3A_60, %dma_start3A_71] : memref<40x125xi32, #tpu.memory_space<vmem>> -> memref<1x125xi32, #tpu.memory_space<vmem>>
      %dma_start3A_73 = tpu.memref_squeeze %dma_start3A_72 : memref<1x125xi32, #tpu.memory_space<vmem>> -> memref<125xi32, #tpu.memory_space<vmem>>
      %dma_start3A_74 = arith.constant 0 : i32
      %dma_start3A_75 = arith.constant 0 : i32
      %dma_start3A_76 = tpu.memref_slice %arg7[%dma_start3A_74, %dma_start3A_75] : memref<10240x128xf32, #tpu.memory_space<vmem_shared>> -> memref<10240x128xf32, #tpu.memory_space<vmem_shared>>
      tpu.enqueue_indirect_dma source(%arg10 : memref<125x128xf32, #tpu.memory_space<vmem>>) target(%dma_start3A_76 : memref<10240x128xf32, #tpu.memory_space<vmem_shared>>) offsets(%dma_start3A_73 : memref<125xi32, #tpu.memory_space<vmem>>) semaphore(%run_scoped3A_70 : memref<!tpu.dma_semaphore, #tpu.memory_space<semaphore_mem>>) {add = true}
      %dma_wait3A_77 = arith.constant 0 : i32
      %dma_wait3A_78 = tpu.memref_slice %arg9[%run_scoped3A_60, %dma_wait3A_77] : memref<40x125xi32, #tpu.memory_space<vmem>> -> memref<1x125xi32, #tpu.memory_space<vmem>>
      %dma_wait3A_79 = tpu.memref_squeeze %dma_wait3A_78 : memref<1x125xi32, #tpu.memory_space<vmem>> -> memref<125xi32, #tpu.memory_space<vmem>>
      %dma_wait3A_80 = arith.constant 0 : i32
      %dma_wait3A_81 = arith.constant 0 : i32
      %dma_wait3A_82 = tpu.memref_slice %arg7[%dma_wait3A_80, %dma_wait3A_81] : memref<10240x128xf32, #tpu.memory_space<vmem_shared>> -> memref<10240x128xf32, #tpu.memory_space<vmem_shared>>
      tpu.wait_indirect_dma semaphore(%run_scoped3A_70 : memref<!tpu.dma_semaphore, #tpu.memory_space<semaphore_mem>>) src(%arg10 : memref<125x128xf32, #tpu.memory_space<vmem>>) dst(%dma_wait3A_82 : memref<10240x128xf32, #tpu.memory_space<vmem_shared>>)
      tpu.yield
    }) : () -> ()
    %dma_wait3A_61 = arith.constant 39 : i32
    %dma_wait3A_62 = arith.constant 0 : i32
    %dma_wait3A_63 = tpu.memref_slice %arg8[%dma_wait3A_61, %dma_wait3A_62] : memref<40x125xi32, #tpu.memory_space<vmem>> -> memref<1x125xi32, #tpu.memory_space<vmem>>
    %dma_wait3A_64 = tpu.memref_squeeze %dma_wait3A_63 : memref<1x125xi32, #tpu.memory_space<vmem>> -> memref<125xi32, #tpu.memory_space<vmem>>
    %dma_wait3A_65 = arith.constant 0 : i32
    %dma_wait3A_66 = arith.constant 0 : i32
    %dma_wait3A_67 = tpu.memref_slice %arg2[%dma_wait3A_65, %dma_wait3A_66] : memref<10000x128xf32, #tpu.memory_space<hbm>> -> memref<10000x128xf32, #tpu.memory_space<hbm>>
    tpu.wait_indirect_dma semaphore(%arg13 : memref<!tpu.dma_semaphore, #tpu.memory_space<semaphore_mem>>) src(%dma_wait3A_67 : memref<10000x128xf32, #tpu.memory_space<hbm>>) dst(%arg11 : memref<125x128xf32, #tpu.memory_space<vmem>>)
    %run_scoped3A_68 = arith.constant 39 : i32
    "tpu.region"() ({
      %run_scoped3A_70 = tpu.sem_alloc : memref<!tpu.dma_semaphore, #tpu.memory_space<semaphore_mem>>
      %dma_start3A_71 = arith.constant 0 : i32
      %dma_start3A_72 = tpu.memref_slice %arg9[%run_scoped3A_68, %dma_start3A_71] : memref<40x125xi32, #tpu.memory_space<vmem>> -> memref<1x125xi32, #tpu.memory_space<vmem>>
      %dma_start3A_73 = tpu.memref_squeeze %dma_start3A_72 : memref<1x125xi32, #tpu.memory_space<vmem>> -> memref<125xi32, #tpu.memory_space<vmem>>
      %dma_start3A_74 = arith.constant 0 : i32
      %dma_start3A_75 = arith.constant 0 : i32
      %dma_start3A_76 = tpu.memref_slice %arg7[%dma_start3A_74, %dma_start3A_75] : memref<10240x128xf32, #tpu.memory_space<vmem_shared>> -> memref<10240x128xf32, #tpu.memory_space<vmem_shared>>
      tpu.enqueue_indirect_dma source(%arg11 : memref<125x128xf32, #tpu.memory_space<vmem>>) target(%dma_start3A_76 : memref<10240x128xf32, #tpu.memory_space<vmem_shared>>) offsets(%dma_start3A_73 : memref<125xi32, #tpu.memory_space<vmem>>) semaphore(%run_scoped3A_70 : memref<!tpu.dma_semaphore, #tpu.memory_space<semaphore_mem>>) {add = true}
      %dma_wait3A_77 = arith.constant 0 : i32
      %dma_wait3A_78 = tpu.memref_slice %arg9[%run_scoped3A_68, %dma_wait3A_77] : memref<40x125xi32, #tpu.memory_space<vmem>> -> memref<1x125xi32, #tpu.memory_space<vmem>>
      %dma_wait3A_79 = tpu.memref_squeeze %dma_wait3A_78 : memref<1x125xi32, #tpu.memory_space<vmem>> -> memref<125xi32, #tpu.memory_space<vmem>>
      %dma_wait3A_80 = arith.constant 0 : i32
      %dma_wait3A_81 = arith.constant 0 : i32
      %dma_wait3A_82 = tpu.memref_slice %arg7[%dma_wait3A_80, %dma_wait3A_81] : memref<10240x128xf32, #tpu.memory_space<vmem_shared>> -> memref<10240x128xf32, #tpu.memory_space<vmem_shared>>
      tpu.wait_indirect_dma semaphore(%run_scoped3A_70 : memref<!tpu.dma_semaphore, #tpu.memory_space<semaphore_mem>>) src(%arg11 : memref<125x128xf32, #tpu.memory_space<vmem>>) dst(%dma_wait3A_82 : memref<10240x128xf32, #tpu.memory_space<vmem_shared>>)
      tpu.yield
    }) : () -> ()
    %barrier3A_69 = arith.constant 0 : index
    tpu.barrier barrier_id(%barrier3A_69)
    "tpu.region"() ({
      %run_scoped3A_70 = tpu.sem_alloc : memref<!tpu.dma_semaphore, #tpu.memory_space<semaphore_mem>>
      %dma_start3A_71 = arith.constant 0 : i32
      %dma_start3A_72 = tpu.memref_slice %arg6[%arg0, %mul3A_2, %dma_start3A_71] : memref<2x10240x128xf32, #tpu.memory_space<hbm>> -> memref<1x640x128xf32, #tpu.memory_space<hbm>>
      %dma_start3A_73 = tpu.memref_squeeze %dma_start3A_72 : memref<1x640x128xf32, #tpu.memory_space<hbm>> -> memref<640x128xf32, #tpu.memory_space<hbm>>
      %dma_start3A_74 = arith.constant 0 : i32
      %dma_start3A_75 = tpu.memref_slice %arg7[%mul3A_2, %dma_start3A_74] : memref<10240x128xf32, #tpu.memory_space<vmem_shared>> -> memref<640x128xf32, #tpu.memory_space<vmem_shared>>
      tpu.enqueue_dma source(%dma_start3A_75 : memref<640x128xf32, #tpu.memory_space<vmem_shared>>) target(%dma_start3A_73 : memref<640x128xf32, #tpu.memory_space<hbm>>) target_semaphore(%run_scoped3A_70 : memref<!tpu.dma_semaphore, #tpu.memory_space<semaphore_mem>>)
      %dma_wait3A_76 = arith.constant 0 : i32
      %dma_wait3A_77 = tpu.memref_slice %arg6[%arg0, %mul3A_2, %dma_wait3A_76] : memref<2x10240x128xf32, #tpu.memory_space<hbm>> -> memref<1x640x128xf32, #tpu.memory_space<hbm>>
      %dma_wait3A_78 = tpu.memref_squeeze %dma_wait3A_77 : memref<1x640x128xf32, #tpu.memory_space<hbm>> -> memref<640x128xf32, #tpu.memory_space<hbm>>
      %dma_wait3A_79 = arith.constant 0 : i32
      %dma_wait3A_80 = tpu.memref_slice %arg7[%mul3A_2, %dma_wait3A_79] : memref<10240x128xf32, #tpu.memory_space<vmem_shared>> -> memref<640x128xf32, #tpu.memory_space<vmem_shared>>
      tpu.wait_dma2 semaphore(%run_scoped3A_70 : memref<!tpu.dma_semaphore, #tpu.memory_space<semaphore_mem>>) src(%dma_wait3A_80 : memref<640x128xf32, #tpu.memory_space<vmem_shared>>) dst(%dma_wait3A_78 : memref<640x128xf32, #tpu.memory_space<hbm>>)
      tpu.yield
    }) : () -> ()
    return
  }
}

#map = affine_map<(d0, d1) -> (0, 0, 0)>
#map1 = affine_map<(d0, d1) -> (0, 0)>
module attributes {stable_mosaic.version = 14 : i64} {
  func.func @_deg_body(%arg0: i32, %arg1: i32, %arg2: memref<32x80x125xi32, #tpu.memory_space<hbm>>, %arg3: memref<640x128xf32, #tpu.memory_space<hbm>>, %arg4: memref<125x128xf32, #tpu.memory_space<hbm>>, %arg5: memref<2x10240x128xf32, #tpu.memory_space<hbm>>, %arg6: memref<10240x128xf32, #tpu.memory_space<vmem_shared>>, %arg7: memref<80x125xi32, #tpu.memory_space<vmem>>, %arg8: memref<125x128xf32, #tpu.memory_space<vmem>>) attributes {dimension_semantics = [#tpu.dimension_semantics<core_parallel>, #tpu.dimension_semantics<subcore_parallel>], iteration_bounds = array<i64: 2, 16>, scalar_prefetch = 0 : i64, scratch_operands = 3 : i64, tpu.core_type = #tpu.core_type<sc_vector_subcore>, window_params = [{transform_indices = #map}, {transform_indices = #map1}, {transform_indices = #map1}, {transform_indices = #map}]} {
    %mul3A = arith.constant 16 : i32
    %mul3A_0 = arith.muli %arg0, %mul3A : i32
    %add3A = arith.addi %mul3A_0, %arg1 : i32
    %mul3A_1 = arith.constant 640 : i32
    %mul3A_2 = arith.muli %arg1, %mul3A_1 : i32
    "tpu.region"() ({
      %run_scoped3A = tpu.sem_alloc : memref<!tpu.dma_semaphore, #tpu.memory_space<semaphore_mem>>
      %dma_start3A = arith.constant 0 : i32
      %dma_start3A_8 = tpu.memref_slice %arg6[%mul3A_2, %dma_start3A] : memref<10240x128xf32, #tpu.memory_space<vmem_shared>> -> memref<640x128xf32, #tpu.memory_space<vmem_shared>>
      tpu.enqueue_dma source(%arg3 : memref<640x128xf32, #tpu.memory_space<hbm>>) target(%dma_start3A_8 : memref<640x128xf32, #tpu.memory_space<vmem_shared>>) target_semaphore(%run_scoped3A : memref<!tpu.dma_semaphore, #tpu.memory_space<semaphore_mem>>)
      %dma_wait3A = arith.constant 0 : i32
      %dma_wait3A_9 = tpu.memref_slice %arg6[%mul3A_2, %dma_wait3A] : memref<10240x128xf32, #tpu.memory_space<vmem_shared>> -> memref<640x128xf32, #tpu.memory_space<vmem_shared>>
      tpu.wait_dma2 semaphore(%run_scoped3A : memref<!tpu.dma_semaphore, #tpu.memory_space<semaphore_mem>>) src(%arg3 : memref<640x128xf32, #tpu.memory_space<hbm>>) dst(%dma_wait3A_9 : memref<640x128xf32, #tpu.memory_space<vmem_shared>>)
      tpu.yield
    }) : () -> ()
    "tpu.region"() ({
      %run_scoped3A = tpu.sem_alloc : memref<!tpu.dma_semaphore, #tpu.memory_space<semaphore_mem>>
      tpu.enqueue_dma source(%arg4 : memref<125x128xf32, #tpu.memory_space<hbm>>) target(%arg8 : memref<125x128xf32, #tpu.memory_space<vmem>>) target_semaphore(%run_scoped3A : memref<!tpu.dma_semaphore, #tpu.memory_space<semaphore_mem>>)
      tpu.wait_dma2 semaphore(%run_scoped3A : memref<!tpu.dma_semaphore, #tpu.memory_space<semaphore_mem>>) src(%arg4 : memref<125x128xf32, #tpu.memory_space<hbm>>) dst(%arg8 : memref<125x128xf32, #tpu.memory_space<vmem>>)
      tpu.yield
    }) : () -> ()
    "tpu.region"() ({
      %run_scoped3A = tpu.sem_alloc : memref<!tpu.dma_semaphore, #tpu.memory_space<semaphore_mem>>
      %dma_start3A = arith.constant 0 : i32
      %dma_start3A_8 = arith.constant 0 : i32
      %dma_start3A_9 = tpu.memref_slice %arg2[%add3A, %dma_start3A, %dma_start3A_8] : memref<32x80x125xi32, #tpu.memory_space<hbm>> -> memref<1x80x125xi32, #tpu.memory_space<hbm>>
      %dma_start3A_10 = tpu.memref_squeeze %dma_start3A_9 : memref<1x80x125xi32, #tpu.memory_space<hbm>> -> memref<80x125xi32, #tpu.memory_space<hbm>>
      %dma_start3A_11 = arith.constant 0 : i32
      %dma_start3A_12 = arith.constant 0 : i32
      %dma_start3A_13 = tpu.memref_slice %arg2[%add3A, %dma_start3A_11, %dma_start3A_12] : memref<32x80x125xi32, #tpu.memory_space<hbm>> -> memref<1x80x125xi32, #tpu.memory_space<hbm>>
      %dma_start3A_14 = tpu.memref_squeeze %dma_start3A_13 : memref<1x80x125xi32, #tpu.memory_space<hbm>> -> memref<80x125xi32, #tpu.memory_space<hbm>>
      tpu.enqueue_dma source(%dma_start3A_14 : memref<80x125xi32, #tpu.memory_space<hbm>>) target(%arg7 : memref<80x125xi32, #tpu.memory_space<vmem>>) target_semaphore(%run_scoped3A : memref<!tpu.dma_semaphore, #tpu.memory_space<semaphore_mem>>)
      %dma_wait3A = arith.constant 0 : i32
      %dma_wait3A_15 = arith.constant 0 : i32
      %dma_wait3A_16 = tpu.memref_slice %arg2[%add3A, %dma_wait3A, %dma_wait3A_15] : memref<32x80x125xi32, #tpu.memory_space<hbm>> -> memref<1x80x125xi32, #tpu.memory_space<hbm>>
      %dma_wait3A_17 = tpu.memref_squeeze %dma_wait3A_16 : memref<1x80x125xi32, #tpu.memory_space<hbm>> -> memref<80x125xi32, #tpu.memory_space<hbm>>
      %dma_wait3A_18 = arith.constant 0 : i32
      %dma_wait3A_19 = arith.constant 0 : i32
      %dma_wait3A_20 = tpu.memref_slice %arg2[%add3A, %dma_wait3A_18, %dma_wait3A_19] : memref<32x80x125xi32, #tpu.memory_space<hbm>> -> memref<1x80x125xi32, #tpu.memory_space<hbm>>
      %dma_wait3A_21 = tpu.memref_squeeze %dma_wait3A_20 : memref<1x80x125xi32, #tpu.memory_space<hbm>> -> memref<80x125xi32, #tpu.memory_space<hbm>>
      tpu.wait_dma2 semaphore(%run_scoped3A : memref<!tpu.dma_semaphore, #tpu.memory_space<semaphore_mem>>) src(%dma_wait3A_21 : memref<80x125xi32, #tpu.memory_space<hbm>>) dst(%arg7 : memref<80x125xi32, #tpu.memory_space<vmem>>)
      tpu.yield
    }) : () -> ()
    %barrier3A = arith.constant 0 : index
    tpu.barrier barrier_id(%barrier3A)
    %scan3A = arith.constant 0 : i32
    %scan3A_3 = arith.constant 80 : i32
    %scan3A_4 = arith.addi %scan3A, %scan3A_3 : i32
    %scan3A_5 = arith.constant 1 : i32
    scf.for %scan3A_8 = %scan3A to %scan3A_4 step %scan3A_5  : i32 {
      %mul3A_9 = arith.constant 1 : i32
      %mul3A_10 = arith.muli %scan3A_8, %mul3A_9 : i32
      %add3A_11 = arith.constant 0 : i32
      %add3A_12 = arith.addi %add3A_11, %mul3A_10 : i32
      "tpu.region"() ({
        %run_scoped3A = tpu.sem_alloc : memref<!tpu.dma_semaphore, #tpu.memory_space<semaphore_mem>>
        %dma_start3A = arith.constant 0 : i32
        %dma_start3A_13 = tpu.memref_slice %arg7[%add3A_12, %dma_start3A] : memref<80x125xi32, #tpu.memory_space<vmem>> -> memref<1x125xi32, #tpu.memory_space<vmem>>
        %dma_start3A_14 = tpu.memref_squeeze %dma_start3A_13 : memref<1x125xi32, #tpu.memory_space<vmem>> -> memref<125xi32, #tpu.memory_space<vmem>>
        %dma_start3A_15 = arith.constant 0 : i32
        %dma_start3A_16 = arith.constant 0 : i32
        %dma_start3A_17 = tpu.memref_slice %arg6[%dma_start3A_15, %dma_start3A_16] : memref<10240x128xf32, #tpu.memory_space<vmem_shared>> -> memref<10240x128xf32, #tpu.memory_space<vmem_shared>>
        tpu.enqueue_indirect_dma source(%arg8 : memref<125x128xf32, #tpu.memory_space<vmem>>) target(%dma_start3A_17 : memref<10240x128xf32, #tpu.memory_space<vmem_shared>>) offsets(%dma_start3A_14 : memref<125xi32, #tpu.memory_space<vmem>>) semaphore(%run_scoped3A : memref<!tpu.dma_semaphore, #tpu.memory_space<semaphore_mem>>) {add = true}
        %dma_wait3A = arith.constant 0 : i32
        %dma_wait3A_18 = tpu.memref_slice %arg7[%add3A_12, %dma_wait3A] : memref<80x125xi32, #tpu.memory_space<vmem>> -> memref<1x125xi32, #tpu.memory_space<vmem>>
        %dma_wait3A_19 = tpu.memref_squeeze %dma_wait3A_18 : memref<1x125xi32, #tpu.memory_space<vmem>> -> memref<125xi32, #tpu.memory_space<vmem>>
        %dma_wait3A_20 = arith.constant 0 : i32
        %dma_wait3A_21 = arith.constant 0 : i32
        %dma_wait3A_22 = tpu.memref_slice %arg6[%dma_wait3A_20, %dma_wait3A_21] : memref<10240x128xf32, #tpu.memory_space<vmem_shared>> -> memref<10240x128xf32, #tpu.memory_space<vmem_shared>>
        tpu.wait_indirect_dma semaphore(%run_scoped3A : memref<!tpu.dma_semaphore, #tpu.memory_space<semaphore_mem>>) src(%arg8 : memref<125x128xf32, #tpu.memory_space<vmem>>) dst(%dma_wait3A_22 : memref<10240x128xf32, #tpu.memory_space<vmem_shared>>)
        tpu.yield
      }) : () -> ()
    }
    %scan3A_6 = arith.constant 80 : i32
    %barrier3A_7 = arith.constant 0 : index
    tpu.barrier barrier_id(%barrier3A_7)
    "tpu.region"() ({
      %run_scoped3A = tpu.sem_alloc : memref<!tpu.dma_semaphore, #tpu.memory_space<semaphore_mem>>
      %dma_start3A = arith.constant 0 : i32
      %dma_start3A_8 = tpu.memref_slice %arg5[%arg0, %mul3A_2, %dma_start3A] : memref<2x10240x128xf32, #tpu.memory_space<hbm>> -> memref<1x640x128xf32, #tpu.memory_space<hbm>>
      %dma_start3A_9 = tpu.memref_squeeze %dma_start3A_8 : memref<1x640x128xf32, #tpu.memory_space<hbm>> -> memref<640x128xf32, #tpu.memory_space<hbm>>
      %dma_start3A_10 = arith.constant 0 : i32
      %dma_start3A_11 = tpu.memref_slice %arg6[%mul3A_2, %dma_start3A_10] : memref<10240x128xf32, #tpu.memory_space<vmem_shared>> -> memref<640x128xf32, #tpu.memory_space<vmem_shared>>
      tpu.enqueue_dma source(%dma_start3A_11 : memref<640x128xf32, #tpu.memory_space<vmem_shared>>) target(%dma_start3A_9 : memref<640x128xf32, #tpu.memory_space<hbm>>) target_semaphore(%run_scoped3A : memref<!tpu.dma_semaphore, #tpu.memory_space<semaphore_mem>>)
      %dma_wait3A = arith.constant 0 : i32
      %dma_wait3A_12 = tpu.memref_slice %arg5[%arg0, %mul3A_2, %dma_wait3A] : memref<2x10240x128xf32, #tpu.memory_space<hbm>> -> memref<1x640x128xf32, #tpu.memory_space<hbm>>
      %dma_wait3A_13 = tpu.memref_squeeze %dma_wait3A_12 : memref<1x640x128xf32, #tpu.memory_space<hbm>> -> memref<640x128xf32, #tpu.memory_space<hbm>>
      %dma_wait3A_14 = arith.constant 0 : i32
      %dma_wait3A_15 = tpu.memref_slice %arg6[%mul3A_2, %dma_wait3A_14] : memref<10240x128xf32, #tpu.memory_space<vmem_shared>> -> memref<640x128xf32, #tpu.memory_space<vmem_shared>>
      tpu.wait_dma2 semaphore(%run_scoped3A : memref<!tpu.dma_semaphore, #tpu.memory_space<semaphore_mem>>) src(%dma_wait3A_15 : memref<640x128xf32, #tpu.memory_space<vmem_shared>>) dst(%dma_wait3A_13 : memref<640x128xf32, #tpu.memory_space<hbm>>)
      tpu.yield
    }) : () -> ()
    return
  }
}

module attributes {stable_mosaic.version = 14 : i64} {
  func.func @_layer_body(%arg0: i32, %arg1: memref<1000x128xf32, #tpu.memory_space<vmem>>, %arg2: memref<2x1000x128xf32, #tpu.memory_space<vmem>>, %arg3: memref<2x1000x128xf32, #tpu.memory_space<vmem>>, %arg4: memref<128x128xf32, #tpu.memory_space<vmem>>, %arg5: memref<128x128xf32, #tpu.memory_space<vmem>>, %arg6: memref<1x128xf32, #tpu.memory_space<vmem>>, %arg7: memref<128x40xf32, #tpu.memory_space<vmem>>, %arg8: memref<1x40xf32, #tpu.memory_space<vmem>>, %arg9: memref<1000x128xf32, #tpu.memory_space<vmem>>) attributes {dimension_semantics = [#tpu.dimension_semantics<arbitrary>], iteration_bounds = array<i64: 10>, scalar_prefetch = 0 : i64, scratch_operands = 0 : i64, tpu.core_type = #tpu.core_type<tc>, window_params = [{transform_indices = @transform_0, window_bounds = array<i64: 1000, 128>}, {transform_indices = @transform_1, window_bounds = array<i64: 2, 1000, 128>}, {transform_indices = @transform_2, window_bounds = array<i64: 2, 1000, 128>}, {pipeline_mode = #tpu.pipeline_mode<synchronous>, transform_indices = @transform_3, window_bounds = array<i64: 128, 128>}, {pipeline_mode = #tpu.pipeline_mode<synchronous>, transform_indices = @transform_4, window_bounds = array<i64: 128, 128>}, {pipeline_mode = #tpu.pipeline_mode<synchronous>, transform_indices = @transform_5, window_bounds = array<i64: 1, 128>}, {pipeline_mode = #tpu.pipeline_mode<synchronous>, transform_indices = @transform_6, window_bounds = array<i64: 128, 40>}, {pipeline_mode = #tpu.pipeline_mode<synchronous>, transform_indices = @transform_7, window_bounds = array<i64: 1, 40>}, {transform_indices = @transform_8, window_bounds = array<i64: 1000, 128>}]} {
    %get3A = arith.constant 0 : index
    %get3A_0 = arith.constant 0 : index
    %get3A_1 = arith.constant 0 : index
    %get3A_2 = vector.load %arg2[%get3A, %get3A_0, %get3A_1] : memref<2x1000x128xf32, #tpu.memory_space<vmem>>, vector<1x1000x128xf32>
    %get3A_3 = vector.shape_cast %get3A_2 : vector<1x1000x128xf32> to vector<1000x128xf32>
    %get3A_4 = arith.constant 1 : index
    %get3A_5 = arith.constant 0 : index
    %get3A_6 = arith.constant 0 : index
    %get3A_7 = vector.load %arg2[%get3A_4, %get3A_5, %get3A_6] : memref<2x1000x128xf32, #tpu.memory_space<vmem>>, vector<1x1000x128xf32>
    %get3A_8 = vector.shape_cast %get3A_7 : vector<1x1000x128xf32> to vector<1000x128xf32>
    %add3A = arith.addf %get3A_3, %get3A_8 : vector<1000x128xf32>
    %get3A_9 = arith.constant 0 : index
    %get3A_10 = arith.constant 0 : index
    %get3A_11 = arith.constant 0 : index
    %get3A_12 = vector.load %arg3[%get3A_9, %get3A_10, %get3A_11] : memref<2x1000x128xf32, #tpu.memory_space<vmem>>, vector<1x1000x1xf32>
    %get3A_13 = vector.shape_cast %get3A_12 : vector<1x1000x1xf32> to vector<1000xf32>
    %get3A_14 = arith.constant 1 : index
    %get3A_15 = arith.constant 0 : index
    %get3A_16 = arith.constant 0 : index
    %get3A_17 = vector.load %arg3[%get3A_14, %get3A_15, %get3A_16] : memref<2x1000x128xf32, #tpu.memory_space<vmem>>, vector<1x1000x1xf32>
    %get3A_18 = vector.shape_cast %get3A_17 : vector<1x1000x1xf32> to vector<1000xf32>
    %add3A_19 = arith.addf %get3A_13, %get3A_18 : vector<1000xf32>
    %max3A = arith.constant 1.000000e+00 : f32
    %max3A_20 = vector.broadcast %max3A : f32 to vector<1000xf32>
    %max3A_21 = arith.maximumf %add3A_19, %max3A_20 : vector<1000xf32>
    %div3A = arith.constant 1.000000e+00 : f32
    %div3A_22 = vector.broadcast %div3A : f32 to vector<1000xf32>
    %div3A_23 = arith.divf %div3A_22, %max3A_21 : vector<1000xf32>
    %broadcast_in_dim3A = vector.shape_cast %div3A_23 : vector<1000xf32> to vector<1000x1xf32>
    %mul3A = vector.broadcast %broadcast_in_dim3A : vector<1000x1xf32> to vector<1000x128xf32>
    %mul3A_24 = arith.mulf %add3A, %mul3A : vector<1000x128xf32>
    %get3A_25 = arith.constant 0 : index
    %get3A_26 = arith.constant 0 : index
    %get3A_27 = vector.load %arg1[%get3A_25, %get3A_26] : memref<1000x128xf32, #tpu.memory_space<vmem>>, vector<1000x128xf32>
    %get3A_28 = arith.constant 0 : index
    %get3A_29 = arith.constant 0 : index
    %get3A_30 = vector.load %arg4[%get3A_28, %get3A_29] : memref<128x128xf32, #tpu.memory_space<vmem>>, vector<128x128xf32>
    %dot_general3A = arith.constant dense<0.000000e+00> : vector<1000x128xf32>
    %dot_general3A_31 = tpu.matmul %get3A_27, %get3A_30, %dot_general3A {dimension_numbers = #tpu.dot_dimension_numbers<[1], [0], [0], [1], [0, 0, 1, 1], [], []>, transpose_lhs_hint = false} : vector<1000x128xf32>, vector<128x128xf32>, vector<1000x128xf32> -> vector<1000x128xf32>
    %get3A_32 = arith.constant 0 : index
    %get3A_33 = arith.constant 0 : index
    %get3A_34 = vector.load %arg5[%get3A_32, %get3A_33] : memref<128x128xf32, #tpu.memory_space<vmem>>, vector<128x128xf32>
    %dot_general3A_35 = arith.constant dense<0.000000e+00> : vector<1000x128xf32>
    %dot_general3A_36 = tpu.matmul %mul3A_24, %get3A_34, %dot_general3A_35 {dimension_numbers = #tpu.dot_dimension_numbers<[1], [0], [0], [1], [0, 0, 1, 1], [], []>, transpose_lhs_hint = false} : vector<1000x128xf32>, vector<128x128xf32>, vector<1000x128xf32> -> vector<1000x128xf32>
    %add3A_37 = arith.addf %dot_general3A_31, %dot_general3A_36 : vector<1000x128xf32>
    %get3A_38 = arith.constant 0 : index
    %get3A_39 = arith.constant 0 : index
    %get3A_40 = vector.load %arg6[%get3A_38, %get3A_39] : memref<1x128xf32, #tpu.memory_space<vmem>>, vector<1x128xf32>
    %add3A_41 = vector.broadcast %get3A_40 : vector<1x128xf32> to vector<1000x128xf32>
    %add3A_42 = arith.addf %add3A_37, %add3A_41 : vector<1000x128xf32>
    %max3A_43 = arith.constant 0.000000e+00 : f32
    %max3A_44 = vector.broadcast %max3A_43 : f32 to vector<1000x128xf32>
    %max3A_45 = arith.maximumf %add3A_42, %max3A_44 : vector<1000x128xf32>
    %swap3A = arith.constant 0 : index
    %swap3A_46 = arith.constant 0 : index
    %swap3A_47 = vector.load %arg9[%swap3A, %swap3A_46] : memref<1000x128xf32, #tpu.memory_space<vmem>>, vector<1000x128xf32>
    tpu.vector_store %arg9[%swap3A, %swap3A_46], %max3A_45 {strides = array<i32>} : memref<1000x128xf32, #tpu.memory_space<vmem>>, vector<1000x128xf32>,
    return
  }
  func.func @transform_0(%arg0: i32) -> (i32, i32) {
    %c0_i32 = arith.constant 0 : i32
    %c0_i32_0 = arith.constant 0 : i32
    return %arg0, %c0_i32 : i32, i32
  }
  func.func @transform_1(%arg0: i32) -> (i32, i32, i32) {
    %c0_i32 = arith.constant 0 : i32
    %c0_i32_0 = arith.constant 0 : i32
    %c0_i32_1 = arith.constant 0 : i32
    return %c0_i32, %arg0, %c0_i32_0 : i32, i32, i32
  }
  func.func @transform_2(%arg0: i32) -> (i32, i32, i32) {
    %c0_i32 = arith.constant 0 : i32
    %c0_i32_0 = arith.constant 0 : i32
    %c0_i32_1 = arith.constant 0 : i32
    return %c0_i32, %arg0, %c0_i32_0 : i32, i32, i32
  }
  func.func @transform_3(%arg0: i32) -> (i32, i32) {
    %c0_i32 = arith.constant 0 : i32
    %c0_i32_0 = arith.constant 0 : i32
    %c0_i32_1 = arith.constant 0 : i32
    return %c0_i32, %c0_i32_0 : i32, i32
  }
  func.func @transform_4(%arg0: i32) -> (i32, i32) {
    %c0_i32 = arith.constant 0 : i32
    %c0_i32_0 = arith.constant 0 : i32
    %c0_i32_1 = arith.constant 0 : i32
    return %c0_i32, %c0_i32_0 : i32, i32
  }
  func.func @transform_5(%arg0: i32) -> (i32, i32) {
    %c0_i32 = arith.constant 0 : i32
    %c0_i32_0 = arith.constant 0 : i32
    %c0_i32_1 = arith.constant 0 : i32
    return %c0_i32, %c0_i32_0 : i32, i32
  }
  func.func @transform_6(%arg0: i32) -> (i32, i32) {
    %c0_i32 = arith.constant 0 : i32
    %c0_i32_0 = arith.constant 0 : i32
    %c0_i32_1 = arith.constant 0 : i32
    return %c0_i32, %c0_i32_0 : i32, i32
  }
  func.func @transform_7(%arg0: i32) -> (i32, i32) {
    %c0_i32 = arith.constant 0 : i32
    %c0_i32_0 = arith.constant 0 : i32
    %c0_i32_1 = arith.constant 0 : i32
    return %c0_i32, %c0_i32_0 : i32, i32
  }
  func.func @transform_8(%arg0: i32) -> (i32, i32) {
    %c0_i32 = arith.constant 0 : i32
    %c0_i32_0 = arith.constant 0 : i32
    return %arg0, %c0_i32 : i32, i32
  }
}

module attributes {stable_mosaic.version = 14 : i64} {
  func.func @_layer_body(%arg0: i32, %arg1: memref<1000x128xf32, #tpu.memory_space<vmem>>, %arg2: memref<2x1000x128xf32, #tpu.memory_space<vmem>>, %arg3: memref<2x1000x128xf32, #tpu.memory_space<vmem>>, %arg4: memref<128x128xf32, #tpu.memory_space<vmem>>, %arg5: memref<128x128xf32, #tpu.memory_space<vmem>>, %arg6: memref<1x128xf32, #tpu.memory_space<vmem>>, %arg7: memref<128x40xf32, #tpu.memory_space<vmem>>, %arg8: memref<1x40xf32, #tpu.memory_space<vmem>>, %arg9: memref<1000x40xf32, #tpu.memory_space<vmem>>) attributes {dimension_semantics = [#tpu.dimension_semantics<arbitrary>], iteration_bounds = array<i64: 10>, scalar_prefetch = 0 : i64, scratch_operands = 0 : i64, tpu.core_type = #tpu.core_type<tc>, window_params = [{transform_indices = @transform_0, window_bounds = array<i64: 1000, 128>}, {transform_indices = @transform_1, window_bounds = array<i64: 2, 1000, 128>}, {transform_indices = @transform_2, window_bounds = array<i64: 2, 1000, 128>}, {pipeline_mode = #tpu.pipeline_mode<synchronous>, transform_indices = @transform_3, window_bounds = array<i64: 128, 128>}, {pipeline_mode = #tpu.pipeline_mode<synchronous>, transform_indices = @transform_4, window_bounds = array<i64: 128, 128>}, {pipeline_mode = #tpu.pipeline_mode<synchronous>, transform_indices = @transform_5, window_bounds = array<i64: 1, 128>}, {pipeline_mode = #tpu.pipeline_mode<synchronous>, transform_indices = @transform_6, window_bounds = array<i64: 128, 40>}, {pipeline_mode = #tpu.pipeline_mode<synchronous>, transform_indices = @transform_7, window_bounds = array<i64: 1, 40>}, {transform_indices = @transform_8, window_bounds = array<i64: 1000, 40>}]} {
    %get3A = arith.constant 0 : index
    %get3A_0 = arith.constant 0 : index
    %get3A_1 = arith.constant 0 : index
    %get3A_2 = vector.load %arg2[%get3A, %get3A_0, %get3A_1] : memref<2x1000x128xf32, #tpu.memory_space<vmem>>, vector<1x1000x128xf32>
    %get3A_3 = vector.shape_cast %get3A_2 : vector<1x1000x128xf32> to vector<1000x128xf32>
    %get3A_4 = arith.constant 1 : index
    %get3A_5 = arith.constant 0 : index
    %get3A_6 = arith.constant 0 : index
    %get3A_7 = vector.load %arg2[%get3A_4, %get3A_5, %get3A_6] : memref<2x1000x128xf32, #tpu.memory_space<vmem>>, vector<1x1000x128xf32>
    %get3A_8 = vector.shape_cast %get3A_7 : vector<1x1000x128xf32> to vector<1000x128xf32>
    %add3A = arith.addf %get3A_3, %get3A_8 : vector<1000x128xf32>
    %get3A_9 = arith.constant 0 : index
    %get3A_10 = arith.constant 0 : index
    %get3A_11 = arith.constant 0 : index
    %get3A_12 = vector.load %arg3[%get3A_9, %get3A_10, %get3A_11] : memref<2x1000x128xf32, #tpu.memory_space<vmem>>, vector<1x1000x1xf32>
    %get3A_13 = vector.shape_cast %get3A_12 : vector<1x1000x1xf32> to vector<1000xf32>
    %get3A_14 = arith.constant 1 : index
    %get3A_15 = arith.constant 0 : index
    %get3A_16 = arith.constant 0 : index
    %get3A_17 = vector.load %arg3[%get3A_14, %get3A_15, %get3A_16] : memref<2x1000x128xf32, #tpu.memory_space<vmem>>, vector<1x1000x1xf32>
    %get3A_18 = vector.shape_cast %get3A_17 : vector<1x1000x1xf32> to vector<1000xf32>
    %add3A_19 = arith.addf %get3A_13, %get3A_18 : vector<1000xf32>
    %max3A = arith.constant 1.000000e+00 : f32
    %max3A_20 = vector.broadcast %max3A : f32 to vector<1000xf32>
    %max3A_21 = arith.maximumf %add3A_19, %max3A_20 : vector<1000xf32>
    %div3A = arith.constant 1.000000e+00 : f32
    %div3A_22 = vector.broadcast %div3A : f32 to vector<1000xf32>
    %div3A_23 = arith.divf %div3A_22, %max3A_21 : vector<1000xf32>
    %broadcast_in_dim3A = vector.shape_cast %div3A_23 : vector<1000xf32> to vector<1000x1xf32>
    %mul3A = vector.broadcast %broadcast_in_dim3A : vector<1000x1xf32> to vector<1000x128xf32>
    %mul3A_24 = arith.mulf %add3A, %mul3A : vector<1000x128xf32>
    %get3A_25 = arith.constant 0 : index
    %get3A_26 = arith.constant 0 : index
    %get3A_27 = vector.load %arg1[%get3A_25, %get3A_26] : memref<1000x128xf32, #tpu.memory_space<vmem>>, vector<1000x128xf32>
    %get3A_28 = arith.constant 0 : index
    %get3A_29 = arith.constant 0 : index
    %get3A_30 = vector.load %arg4[%get3A_28, %get3A_29] : memref<128x128xf32, #tpu.memory_space<vmem>>, vector<128x128xf32>
    %dot_general3A = arith.constant dense<0.000000e+00> : vector<1000x128xf32>
    %dot_general3A_31 = tpu.matmul %get3A_27, %get3A_30, %dot_general3A {dimension_numbers = #tpu.dot_dimension_numbers<[1], [0], [0], [1], [0, 0, 1, 1], [], []>, transpose_lhs_hint = false} : vector<1000x128xf32>, vector<128x128xf32>, vector<1000x128xf32> -> vector<1000x128xf32>
    %get3A_32 = arith.constant 0 : index
    %get3A_33 = arith.constant 0 : index
    %get3A_34 = vector.load %arg5[%get3A_32, %get3A_33] : memref<128x128xf32, #tpu.memory_space<vmem>>, vector<128x128xf32>
    %dot_general3A_35 = arith.constant dense<0.000000e+00> : vector<1000x128xf32>
    %dot_general3A_36 = tpu.matmul %mul3A_24, %get3A_34, %dot_general3A_35 {dimension_numbers = #tpu.dot_dimension_numbers<[1], [0], [0], [1], [0, 0, 1, 1], [], []>, transpose_lhs_hint = false} : vector<1000x128xf32>, vector<128x128xf32>, vector<1000x128xf32> -> vector<1000x128xf32>
    %add3A_37 = arith.addf %dot_general3A_31, %dot_general3A_36 : vector<1000x128xf32>
    %get3A_38 = arith.constant 0 : index
    %get3A_39 = arith.constant 0 : index
    %get3A_40 = vector.load %arg6[%get3A_38, %get3A_39] : memref<1x128xf32, #tpu.memory_space<vmem>>, vector<1x128xf32>
    %add3A_41 = vector.broadcast %get3A_40 : vector<1x128xf32> to vector<1000x128xf32>
    %add3A_42 = arith.addf %add3A_37, %add3A_41 : vector<1000x128xf32>
    %max3A_43 = arith.constant 0.000000e+00 : f32
    %max3A_44 = vector.broadcast %max3A_43 : f32 to vector<1000x128xf32>
    %max3A_45 = arith.maximumf %add3A_42, %max3A_44 : vector<1000x128xf32>
    %get3A_46 = arith.constant 0 : index
    %get3A_47 = arith.constant 0 : index
    %get3A_48 = vector.load %arg7[%get3A_46, %get3A_47] : memref<128x40xf32, #tpu.memory_space<vmem>>, vector<128x40xf32>
    %dot_general3A_49 = arith.constant dense<0.000000e+00> : vector<1000x40xf32>
    %dot_general3A_50 = tpu.matmul %max3A_45, %get3A_48, %dot_general3A_49 {dimension_numbers = #tpu.dot_dimension_numbers<[1], [0], [0], [1], [0, 0, 1, 1], [], []>, transpose_lhs_hint = false} : vector<1000x128xf32>, vector<128x40xf32>, vector<1000x40xf32> -> vector<1000x40xf32>
    %get3A_51 = arith.constant 0 : index
    %get3A_52 = arith.constant 0 : index
    %get3A_53 = vector.load %arg8[%get3A_51, %get3A_52] : memref<1x40xf32, #tpu.memory_space<vmem>>, vector<1x40xf32>
    %add3A_54 = vector.broadcast %get3A_53 : vector<1x40xf32> to vector<1000x40xf32>
    %add3A_55 = arith.addf %dot_general3A_50, %add3A_54 : vector<1000x40xf32>
    %swap3A = arith.constant 0 : index
    %swap3A_56 = arith.constant 0 : index
    %swap3A_57 = vector.load %arg9[%swap3A, %swap3A_56] : memref<1000x40xf32, #tpu.memory_space<vmem>>, vector<1000x40xf32>
    tpu.vector_store %arg9[%swap3A, %swap3A_56], %add3A_55 {strides = array<i32>} : memref<1000x40xf32, #tpu.memory_space<vmem>>, vector<1000x40xf32>,
    return
  }
  func.func @transform_0(%arg0: i32) -> (i32, i32) {
    %c0_i32 = arith.constant 0 : i32
    %c0_i32_0 = arith.constant 0 : i32
    return %arg0, %c0_i32 : i32, i32
  }
  func.func @transform_1(%arg0: i32) -> (i32, i32, i32) {
    %c0_i32 = arith.constant 0 : i32
    %c0_i32_0 = arith.constant 0 : i32
    %c0_i32_1 = arith.constant 0 : i32
    return %c0_i32, %arg0, %c0_i32_0 : i32, i32, i32
  }
  func.func @transform_2(%arg0: i32) -> (i32, i32, i32) {
    %c0_i32 = arith.constant 0 : i32
    %c0_i32_0 = arith.constant 0 : i32
    %c0_i32_1 = arith.constant 0 : i32
    return %c0_i32, %arg0, %c0_i32_0 : i32, i32, i32
  }
  func.func @transform_3(%arg0: i32) -> (i32, i32) {
    %c0_i32 = arith.constant 0 : i32
    %c0_i32_0 = arith.constant 0 : i32
    %c0_i32_1 = arith.constant 0 : i32
    return %c0_i32, %c0_i32_0 : i32, i32
  }
  func.func @transform_4(%arg0: i32) -> (i32, i32) {
    %c0_i32 = arith.constant 0 : i32
    %c0_i32_0 = arith.constant 0 : i32
    %c0_i32_1 = arith.constant 0 : i32
    return %c0_i32, %c0_i32_0 : i32, i32
  }
  func.func @transform_5(%arg0: i32) -> (i32, i32) {
    %c0_i32 = arith.constant 0 : i32
    %c0_i32_0 = arith.constant 0 : i32
    %c0_i32_1 = arith.constant 0 : i32
    return %c0_i32, %c0_i32_0 : i32, i32
  }
  func.func @transform_6(%arg0: i32) -> (i32, i32) {
    %c0_i32 = arith.constant 0 : i32
    %c0_i32_0 = arith.constant 0 : i32
    %c0_i32_1 = arith.constant 0 : i32
    return %c0_i32, %c0_i32_0 : i32, i32
  }
  func.func @transform_7(%arg0: i32) -> (i32, i32) {
    %c0_i32 = arith.constant 0 : i32
    %c0_i32_0 = arith.constant 0 : i32
    %c0_i32_1 = arith.constant 0 : i32
    return %c0_i32, %c0_i32_0 : i32, i32
  }
  func.func @transform_8(%arg0: i32) -> (i32, i32) {
    %c0_i32 = arith.constant 0 : i32
    %c0_i32_0 = arith.constant 0 : i32
    return %arg0, %c0_i32 : i32, i32
  }
}

</mosaic_0001>

<sc_bundles>
// kernel: kernel.10.cloned.1.call-start
scs
__scs_entry_jumppad:
0x0: {  	(pc) =	sbr.rel $0x88, $3  }
0x1: {  	(tag) =	ssettag $0x0;
	lr =	simm.s32 $0x1  }
0x2: {  	[smem:$0x3F97] =	sst lr;
	_ =	strace $0xD0000000  }
0x3: {  	_ = 	snop  }
0x4: {  	_ = 	snop  }
0x5: {  	_ = 	snop  }
0x6: {  	_ = 	snop  }
0x7: {  	_ = 	snop  }
__scs_overlays_trampoline_lowered:
0x8: {  	[smem:$0x3FA6] =	sst s0  }
0x9: {  	[smem:$0x3FA7] =	sst s1  }
0xa: {  	[smem:$0x3FA8] =	sst s2  }
0xb: {  	[smem:$0x3FA9] =	sst s3  }
0xc: {  	[smem:$0x3FAA] =	sst s4  }
0xd: {  	[smem:$0x3FAB] =	sst s5  }
0xe: {  	[smem:$0x3FAC] =	sst s6  }
0xf: {  	[smem:$0x3FAD] =	sst s7  }
0x10: {  	[smem:$0x3FAE] =	sst s8  }
0x11: {  	[smem:$0x3FAF] =	sst s9;
	s0 =	simm.s32 @!p0 $0x0  }
0x12: {  	s1 =	sld [smem:$0x3F95];
	s0 =	simm.s32 @p0 $0x1  }
0x13: {  	[smem:$0x3FB0] =	sst s0;
	s0 =	simm.s32 @!p1 $0x0  }
0x14: {  	s2 =	sld [smem:$0x3F94];
	s0 =	simm.s32 @p1 $0x1  }
0x15: {  	[smem:$0x3FB1] =	sst s0;
	s0 =	simm.s32 @!p2 $0x0  }
0x16: {  	s3 =	sld [smem:$0x3FDB];
	s0 =	simm.s32 @p2 $0x1  }
0x17: {  	s4 =	simm.s32 $0x1BF5;
	[smem:$0x3FB3] =	sst s0  }
0x18: {  	s0 =	sld [smem:$0x3F96];
	_ =	swait.ge [sflag:s4], $0x0  }
0x19: {  	s7 =	sld [smem:$0x3F97]  }
0x1a: {  	s8 =	sadd.s32 $0xFFFFE003, lr  }
0x1b: {  	s9 =	sadd.s32 $0xFFFFFEF7, lr;
	s5 =	simm.s32 $0xFFFFFFFF;
	p2 =	slt.u32 s8, $0xFFFFF086  }
0x1c: {  	p1 =	slt.u32 s9, $0xF7A;
	s5 =	simm.s32 @!p2 $0x0  }
0x1d: {  	s5 =	simm.s32 @p1 $0x1;
	p0 =	seq.s32 s7, s2  }
0x1e: {  	s7 =	smul.u32 @!p0 $0xF7A, s2;
	p2 =	seq.s32 @!p0 s5, $0x0  }
0x1f: {  	s9 =	smul.u32 $0xF7A, s1;
	s8 =	simm.s32 @!p0 $0x1BF5;
	p2 =	por !p2, p0  }
0x20: {  	[sflag:s8] =	ssyncset.s32 @!p0 $0xFFFFF086;
	s6 =	sadd.s32 @!p0 s3, s7;
	s7 =	simm.s32 @!p0 $0x108  }
0x21: {  	s3 =	sadd.s32 s3, s9;
	s6 =	sadd.s32 @!p0 $0x88, s6;
	s7 =	simm.s32 @p2 $0x1082  }
0x22: {  	[simem:s7], [sflag:s8] =	dma.local @!p0 [hbm:s6], $0xF7A  }
0x23: {  	s9 =	sor.u32 $0xD0000000, s2;
	s6 =	simm.s32 $0x108;
	_ =	swait.ge @!p0 [sflag:s8], $0x0  }
0x24: {  	s3 =	sadd.s32 $0x88, s3;
	s6 =	simm.s32 @!p1 $0x1082;
	[sflag:s4] =	ssyncset.s32 $0xFFFFF086  }
0x25: {  	[simem:s6], [sflag:s4] =	dma.local [hbm:s3], $0xF7A  }
0x26: {  	[smem:$0x3F97] =	sst s1;
	(tag) =	ssettag s2;
	_ =	strace s9  }
0x27: {  	s1 =	sld [smem:$0x3FA7]  }
0x28: {  	s2 =	sld [smem:$0x3FA8]  }
0x29: {  	s4 =	sld [smem:$0x3FAA]  }
0x2a: {  	p0 =	seq.s32 s5, $0x0;
	s5 =	sld [smem:$0x3FAB]  }
0x2b: {  	s6 =	sld [smem:$0x3FAC]  }
0x2c: {  	s7 =	sld [smem:$0x3FAD]  }
0x2d: {  	s3 =	simm.s32 $0x108;
	s8 =	sld [smem:$0x3FAE]  }
0x2e: {  	s3 =	simm.s32 @!p0 $0x1082;
	s9 =	sld [smem:$0x3FAF]  }
0x2f: {  	lr =	sadd.s32 s0, s3;
	s0 =	sld [smem:$0x3FA6]  }
0x30: {  	s3 =	sld [smem:$0x3FA9]  }
0x31: {  	[smem:$0x3FB2] =	sst s10  }
0x32: {  	s10 =	sld [smem:$0x3FB0];
	_ =	sdelay $0x3  }
0x33: {  	p0 =	seq.s32 s10, $0x1;
	s10 =	sld [smem:$0x3FB2];
	_ =	sdelay $0x3  }
0x34: {  	[smem:$0x3FB2] =	sst s10  }
0x35: {  	s10 =	sld [smem:$0x3FB1];
	_ =	sdelay $0x3  }
0x36: {  	p1 =	seq.s32 s10, $0x1;
	s10 =	sld [smem:$0x3FB2];
	_ =	sdelay $0x3  }
0x37: {  	[smem:$0x3FB2] =	sst s10  }
0x38: {  	s10 =	sld [smem:$0x3FB3]  }
0x39: {  	_ = 	snop;
	(pc) =	sbr.ind lr, $3  }
0x3a: {  	_ = 	snop  }
0x3b: {  	_ = 	snop  }
0x3c: {  	p2 =	seq.s32 s10, $0x1;
	s10 =	sld [smem:$0x3FB2]  }
0x3d: {  	_ =	shalt  }
0x3e: {  	_ =	shalt  }
0x3f: {  	_ =	shalt  }
0x40: {  	_ =	shalt  }
0x41: {  	_ =	shalt  }
0x42: {  	_ =	shalt  }
0x43: {  	_ =	shalt  }
0x44: {  	_ =	shalt  }
0x45: {  	_ =	shalt  }
0x46: {  	_ =	shalt  }
0x47: {  	_ =	shalt  }
0x48: {  	_ =	shalt  }
0x49: {  	_ =	shalt  }
0x4a: {  	_ =	shalt  }
0x4b: {  	_ =	shalt  }
0x4c: {  	_ =	shalt  }
0x4d: {  	_ =	shalt  }
0x4e: {  	_ =	shalt  }
0x4f: {  	_ =	shalt  }
0x50: {  	_ =	shalt  }
0x51: {  	_ =	shalt  }
0x52: {  	_ =	shalt  }
0x53: {  	_ =	shalt  }
0x54: {  	_ =	shalt  }
0x55: {  	_ =	shalt  }
0x56: {  	_ =	shalt  }
0x57: {  	_ =	shalt  }
0x58: {  	_ =	shalt  }
0x59: {  	_ =	shalt  }
0x5a: {  	_ =	shalt  }
0x5b: {  	_ =	shalt  }
0x5c: {  	_ =	shalt  }
0x5d: {  	_ =	shalt  }
0x5e: {  	_ =	shalt  }
0x5f: {  	_ =	shalt  }
0x60: {  	_ =	shalt  }
0x61: {  	_ =	shalt  }
0x62: {  	_ =	shalt  }
0x63: {  	_ =	shalt  }
0x64: {  	_ =	shalt  }
0x65: {  	_ =	shalt  }
0x66: {  	_ =	shalt  }
0x67: {  	_ =	shalt  }
0x68: {  	_ =	shalt  }
0x69: {  	_ =	shalt  }
0x6a: {  	_ =	shalt  }
0x6b: {  	_ =	shalt  }
0x6c: {  	_ =	shalt  }
0x6d: {  	_ =	shalt  }
0x6e: {  	_ =	shalt  }
0x6f: {  	_ =	shalt  }
0x70: {  	_ =	shalt  }
0x71: {  	_ =	shalt  }
0x72: {  	_ =	shalt  }
0x73: {  	_ =	shalt  }
0x74: {  	_ =	shalt  }
0x75: {  	_ =	shalt  }
0x76: {  	_ =	shalt  }
0x77: {  	_ =	shalt  }
0x78: {  	_ =	shalt  }
0x79: {  	_ =	shalt  }
0x7a: {  	_ =	shalt  }
0x7b: {  	_ =	shalt  }
0x7c: {  	_ =	shalt  }
0x7d: {  	_ =	shalt  }
0x7e: {  	_ =	shalt  }
0x7f: {  	_ =	shalt  }
0x80: {  	_ =	shalt  }
0x81: {  	_ =	shalt  }
0x82: {  	_ =	shalt  }
0x83: {  	_ =	shalt  }
0x84: {  	_ =	shalt  }
0x85: {  	_ =	shalt  }
0x86: {  	_ =	shalt  }
0x87: {  	_ =	shalt  }
.Lfunc_end0:
.L_simem_size_0:
called_computation.1_lowered:
.L_overlay_start_0:
0x88: {  	s2 =	sld [smem:$0x3FD9]  }
0x89: {  	s3 =	sld [smem:$0x3FFE];
	_ =	sdelay $0x1  }
0x8a: {  	s1 =	srdreg.scid  }
0x8b: {  	s0 =	sand.u32 $0x1, s1  }
0x8c: {  	s17 =	sshll.u32 s0, $0xA;
	s2 =	sadd.s32 s3, s2  }
0x8d: {  	s2 =	sadd.s32 s2, s17  }
0x8e: {  	[smem:$0x3FBE] =	sst s2  }
0x8f: {  	_ = 	snop  }
0x90: {  	s2 =	sld [smem:$0x3FC9]  }
0x91: {  	s18 =	sld [smem:$0x3FD0];
	(tm) =	ssettm $0x1  }
0x92: {  	s4 =	sld [smem:$0x3FFB];
	_ =	sdelay $0x3  }
0x93: {  	_ =	strace s4  }
0x94: {  	s4 =	sld [smem:$0x3FFC];
	_ =	sdelay $0x3  }
0x95: {  	_ =	strace s4  }
0x96: {  	s4 =	sld [smem:$0x3FFD];
	_ =	sdelay $0x3  }
0x97: {  	_ =	strace s4  }
0x98: {  	_ =	strace $0x8FFFFFFF  }
0x99: {  	s19 =	sld [smem:$0x3FDB];
	_ =	sdelay $0x1  }
0x9a: {  	s5 =	simm.s32 $_scs_section_size  }
0x9b: {  	s6 =	simm.s32 $_size__tile_overlayer_lowered;
	s7 =	simm.s32 $_tile_overlayer_lowered  }
0x9c: {  	s22 =	simm.s32 $0x1BFF;
	s21 =	sshll.u32 s7, $0x1;
	s4 =	sadd.s32 s5, s19  }
0x9d: {  	s8 =	simm.s32 $0x0;
	s20 =	sshll.u32 s6, $0x1;
	s6 =	sadd.s32 s21, s4  }
0x9e: {  	[timem:s8], [sflag:s22] =	dma.local [hbm:s6], s20  }
0x9f: {  	_ =	swait.ge [sflag:s22], s20  }
0xa0: {  	s5 =	ssub.s32 $0x0, s20;
	[sflag:s22] =	ssyncset.done $0x0  }
0xa1: {  	[sflag:s22] =	ssyncadd.s32 s5;
	_ =	sdelay $0x1  }
0xa2: {  	s23 =	simm.s32 $0x1B8B  }
0xa3: {  	_ =	swait.ge [sflag:s23], $0x1  }
0xa4: {  	[sflag:s23] =	ssyncset.done $0x0  }
0xa5: {  	s25 =	simm.s32 $0x1B8E;
	s24 =	sld [smem:$0x3FFE];
	[sflag:s23] =	ssyncadd.s32 $0xFFFFFFFF  }
0xa6: {  	s26 =	simm.s32 $execute0_lowered;
	[smem:$0x3FD2] =	sst s25  }
0xa7: {  	s6 =	sshll.u32 s26, $0x1;
	_ =	strace $0x80000046;
	[dreg:$0x1] =	wrdreg $0xFFFFFFFF  }
0xa8: {  	s28 =	simm.s32 $_size_execute0_lowered;
	s4 =	sadd.s32 s4, s6;
	[dreg:$0x0] =	wrdreg $0x0  }
0xa9: {  	s6 =	sshll.u32 s28, $0x1;
	[dreg:$0x2] =	wrdreg s4  }
0xaa: {  	[dreg:$0x3] =	wrdreg s6  }
0xab: {  	[dreg:$0x4] =	wrdreg $0xC0  }
0xac: {  	_ =	task [dreg:s8], $0x5FFFF  }
0xad: {  	[dreg:$0x1] =	wrdreg $0xFFFFFFFF  }
0xae: {  	[dreg:$0x0] =	wrdreg $0x60  }
0xaf: {  	[dreg:$0x2] =	wrdreg s2  }
0xb0: {  	[dreg:$0x3] =	wrdreg s18  }
0xb1: {  	[dreg:$0x4] =	wrdreg s24  }
0xb2: {  	[dreg:$0x5] =	wrdreg $0x0  }
0xb3: {  	[dreg:$0x6] =	wrdreg $0xA  }
0xb4: {  	_ =	task.clear_ibuf [dreg:s8], $0x7FFFF;
	_ =	strace $0x90000046  }
0xb5: {  	s29 =	simm.s32 $0xA;
	_ =	strace $0x80000048  }
0xb6: {  	_ =	swait.ge [sflag:s29], $0x1  }
0xb7: {  	[sflag:s29] =	ssyncadd.s32 $0xFFFFFFFF  }
0xb8: {  	_ =	strace $0x90000048  }
0xb9: {  	_ =	sfence  }
0xba: {  	s30 =	sld [smem:$0x0];
	_ =	sdelay $0x2  }
0xbb: {  	s31 =	sshll.u32 s1, $0xD;
	s1 =	sshrl.u32 s1, $0x2  }
0xbc: {  	s3 =	sand.u32 $0x4000, s31;
	s1 =	sadd.s32 s1, s30  }
0xbd: {  	s0 =	sor.u32 s3, s0;
	s1 =	sshll.u32 s1, $0x11  }
0xbe: {  	s0 =	sor.u32 s1, s0  }
0xbf: {  	s0 =	sadd.s32 $0x8F2B, s0  }
0xc0: {  	[sflag:s0] =	ssyncadd.remote.s32 $0x1  }
0xc1: {  	_ =	sfence.sel $0xFFFF  }
0xc2: {  	[dreg:$0x0] =	wrdreg $0xFFFFFFFF;
	(pc) =	sbr.abs _section_cstart, $3  }
0xc3: {  	[dreg:$0x1] =	wrdreg $0xFFFFFFFF  }
0xc4: {  	_ =	task.clear_ibuf [dreg:s8], $0x2FFFF;
	_ =	strace $0x9FFFFFFF  }
0xc5: {  	(tm) =	ssettm $0x7FFFFFFF  }
tec
execute0_lowered:
.L_overlay_start_1:
0x0: {  	(tag) =	ssettag $0x1  }
0x1: {  	s1 =	rddreg [dreg:$0x0]  }
0x2: {  	s9 =	rddreg [dreg:$0x1]  }
0x3: {  	s6 =	rddreg [dreg:$0x2]  }
0x4: {  	s2 =	rddreg [dreg:$0x3];
	s3 =	srdreg.scid  }
0x5: {  	s0 =	rddreg [dreg:$0x4];
	s4 =	simm.s32 $0x0;
	s16 =	simm.s32 $0x15400  }
0x6: {  	s17 =	simm.s32 $0x7D;
	s18 =	simm.s32 $0x16800;
	s19 =	simm.s32 $0x1A800  }
0x7: {  	s20 =	simm.s32 $0x1;
	s21 =	simm.s32 $0x2;
	s22 =	simm.s32 $0x15380  }
0x8: {  	s23 =	simm.s32 $0x16700;
	s24 =	simm.s32 $0x16780;
	s25 =	simm.s32 $0x0  }
0x9: {  	s7 =	sand.u32 $0x1, s3;
	s3 =	stileid.u32;
	[smem:$0x7FF] =	sst s4  }
0xa: {  	s11 =	sadd.s32 $0x2400, s6;
	s5 =	sadd.s32 $0xC400, s6;
	s8 =	smul.u32 $0x140000, s7  }
0xb: {  	s10 =	smul.u32 $0x14000, s3;
	_ =	strace $0x80000047;
	s28 =	sshll.u32 s7, $0x4  }
0xc: {  	s7 =	ssub.s32 $0x2, s7;
	s12 =	smul.u32 $0x50000, s3;
	s30 =	sshll.u32 s3, $0x6  }
0xd: {  	s13 =	sshrl.u32 s7, $0x1;
	s8 =	sadd.s32 s10, s8;
	s10 =	sor.u32 s3, s28  }
0xe: {  	s13 =	ssub.s32 s7, s13;
	s29 =	sshrl.u32 s12, $0x2;
	s10 =	smul.u32 $0x2800, s10  }
0xf: {  	s8 =	sshrl.u32 s8, $0x3;
	s15 =	sadd.s32 s29, s2;
	s12 =	smax.u32 s13, $0x1  }
0x10: {  	s14 =	sadd.s32 s8, s6;
	s6 =	sor.u32 $0x1C03, s30;
	s31 =	sshrl.u32 s10, $0x3  }
0x11: {  	s13 =	sshrl.u32 s15, $0x3;
	s15 =	simm.s32 $0x14000;
	s10 =	sadd.s32 $0x280, s31  }
0x12: {  	s7 =	sadd.s32 s9, s31;
	s8 =	sadd.s32 s11, s31;
	s9 =	sadd.s32 s9, s10  }
0x13: {  	s10 =	sadd.s32 s11, s10;
	s11 =	sadd.s32 $0xEC00, s14;
	s14 =	simm.s32 $0x3  }
.LBB2_1:
0x14: {  	[spmem:s13], [sflag:s6] =	dma.local [hbm:s5], $0x2800  }
0x15: {  	_ =	swait.ge [sflag:s14], $0x2800  }
0x16: {  	[sflag:s14] =	ssyncset.done $0x0  }
0x17: {  	[sflag:s14] =	ssyncadd.s32 $0xFFFFD800  }
0x18: {  	[bflag:$0x0] =	sbarrier.arrive $0xFFFF  }
0x19: {  	[tilespmem:s15], [sflag:$0x3] =	stream.linear.gather [hbm4b:s7+s4], $0x1400, $0x38;
	[tilespmem:$0x1E800] =	vst v63  }
0x1a: {  	_ =	swait.ge [sflag:s14], $0x1400  }
0x1b: {  	[sflag:s14] =	ssyncset.done $0x0  }
0x1c: {  	[sflag:s14] =	ssyncadd.s32 $0xFFFFEC00  }
0x1d: {  	[tilespmem:s16], [sflag:$0x3] =	stream.linear.gather [hbm4b:s8+s4], $0x1400, $0x38;
	[tilespmem:$0x1E800] =	vst v63  }
0x1e: {  	_ =	swait.ge [sflag:s14], $0x1400  }
0x1f: {  	[sflag:s14] =	ssyncset.done $0x0  }
0x20: {  	[sflag:s14] =	ssyncadd.s32 $0xFFFFEC00  }
0x21: {  	[tilespmem:s18], [sflag:$0x1] =	stream.indirect.gather [hbm4b:s1+s17], $0x80, s15, s17, $0xb8;
	[tilespmem:$0x1E800] =	vst v63  }
0x22: {  	s26 =	simm.s32 $0x14080  }
0x23: {  	[tilespmem:s19], [sflag:$0x2] =	stream.indirect.gather [hbm4b:s1+s17], $0x80, s26, s17, $0xb8;
	[tilespmem:$0x1E800] =	vst v63  }
0x24: {  	_ =	swait.ge [sflag:s20], $0x3E80  }
0x25: {  	[sflag:s20] =	ssyncset.done $0x0  }
0x26: {  	s29 =	simm.s32 $0x15400;
	[sflag:s20] =	ssyncadd.s32 $0xFFFFC180  }
0x27: {  	[spmem:s2] =	stream.indirect.scatter.add.f32 [tilespmem:s18], [sflag:$0x3], $0x80, s29, s17, $0xb8;
	[tilespmem:$0x1E800] =	vst v63  }
0x28: {  	_ =	swait.ge [sflag:s14], $0x3E80  }
0x29: {  	[sflag:s14] =	ssyncset.done $0x0  }
0x2a: {  	s30 =	simm.s32 $0x14100;
	[sflag:s14] =	ssyncadd.s32 $0xFFFFC180  }
0x2b: {  	[tilespmem:s18], [sflag:$0x1] =	stream.indirect.gather [hbm4b:s1+s17], $0x80, s30, s17, $0xb8;
	[tilespmem:$0x1E800] =	vst v63  }
0x2c: {  	_ =	swait.ge [sflag:s21], $0x3E80  }
0x2d: {  	[sflag:s21] =	ssyncset.done $0x0  }
0x2e: {  	s31 =	simm.s32 $0x15480;
	[sflag:s21] =	ssyncadd.s32 $0xFFFFC180  }
0x2f: {  	[spmem:s2] =	stream.indirect.scatter.add.f32 [tilespmem:s19], [sflag:$0x3], $0x80, s31, s17, $0xb8;
	[tilespmem:$0x1E800] =	vst v63  }
0x30: {  	_ =	swait.ge [sflag:s14], $0x3E80  }
0x31: {  	s28 =	simm.s32 $0x800;
	s26 =	simm.s32 $0x100;
	[sflag:s14] =	ssyncset.done $0x0  }
.LBB2_2:
0x32: {  	s29 =	sadd.s32 $0x14080, s26  }
0x33: {  	[sflag:s14] =	ssyncadd.s32 $0xFFFFC180;
	s30 =	smov.u32 s28;
	s31 =	sadd.s32 $0x400, s28  }
0x34: {  	[tilespmem:s19], [sflag:$0x2] =	stream.indirect.gather [hbm4b:s1+s17], $0x80, s29, s17, $0xb8;
	[tilespmem:$0x1E800] =	vst v63  }
0x35: {  	p0 =	sne.s32 s28, $0x4800;
	_ =	swait.ge [sflag:s20], $0x3E80  }
0x36: {  	[sflag:s20] =	ssyncset.done $0x0  }
0x37: {  	s28 =	sadd.s32 $0x15400, s26;
	[sflag:s20] =	ssyncadd.s32 $0xFFFFC180  }
0x38: {  	[spmem:s2] =	stream.indirect.scatter.add.f32 [tilespmem:s18], [sflag:$0x3], $0x80, s28, s17, $0xb8;
	[tilespmem:$0x1E800] =	vst v63  }
0x39: {  	_ =	swait.ge [sflag:s14], $0x3E80  }
0x3a: {  	[sflag:s14] =	ssyncset.done $0x0  }
0x3b: {  	s28 =	sadd.s32 $0x14100, s26;
	[sflag:s14] =	ssyncadd.s32 $0xFFFFC180  }
0x3c: {  	[tilespmem:s18], [sflag:$0x1] =	stream.indirect.gather [hbm4b:s1+s17], $0x80, s28, s17, $0xb8;
	[tilespmem:$0x1E800] =	vst v63  }
0x3d: {  	_ =	swait.ge [sflag:s21], $0x3E80  }
.Ltmp0:
0x3e: {  	[sflag:s21] =	ssyncset.done $0x0;
	(pc) =	sbr.rel @p0 .LBB2_2-.Ltmp0, $4  }
0x3f: {  	s26 =	sadd.s32 $0x15480, s26;
	[sflag:s21] =	ssyncadd.s32 $0xFFFFC180  }
0x40: {  	[spmem:s2] =	stream.indirect.scatter.add.f32 [tilespmem:s19], [sflag:$0x3], $0x80, s26, s17, $0xb8;
	[tilespmem:$0x1E800] =	vst v63  }
0x41: {  	_ =	swait.ge [sflag:s14], $0x3E80  }
0x42: {  	s28 =	smov.u32 s31;
	s26 =	sshra.s32 s30, $0x2;
	[sflag:s14] =	ssyncset.done $0x0  }
0x43: {  	s28 =	sadd.s32 $0x14080, s26;
	[sflag:s14] =	ssyncadd.s32 $0xFFFFC180  }
0x44: {  	[tilespmem:s19], [sflag:$0x2] =	stream.indirect.gather [hbm4b:s1+s17], $0x80, s28, s17, $0xb8;
	[tilespmem:$0x1E800] =	vst v63  }
0x45: {  	_ =	swait.ge [sflag:s20], $0x3E80  }
0x46: {  	[sflag:s20] =	ssyncset.done $0x0  }
0x47: {  	s28 =	sadd.s32 $0x15400, s26;
	[sflag:s20] =	ssyncadd.s32 $0xFFFFC180  }
0x48: {  	[spmem:s2] =	stream.indirect.scatter.add.f32 [tilespmem:s18], [sflag:$0x3], $0x80, s28, s17, $0xb8;
	[tilespmem:$0x1E800] =	vst v63  }
0x49: {  	_ =	swait.ge [sflag:s14], $0x3E80  }
0x4a: {  	[sflag:s14] =	ssyncset.done $0x0  }
0x4b: {  	s28 =	sadd.s32 $0x14100, s26;
	[sflag:s14] =	ssyncadd.s32 $0xFFFFC180  }
0x4c: {  	[tilespmem:s18], [sflag:$0x1] =	stream.indirect.gather [hbm4b:s1+s17], $0x80, s28, s17, $0xb8;
	[tilespmem:$0x1E800] =	vst v63  }
0x4d: {  	_ =	swait.ge [sflag:s21], $0x3E80  }
0x4e: {  	[sflag:s21] =	ssyncset.done $0x0  }
0x4f: {  	s29 =	sadd.s32 $0x15480, s26;
	[sflag:s21] =	ssyncadd.s32 $0xFFFFC180  }
0x50: {  	[spmem:s2] =	stream.indirect.scatter.add.f32 [tilespmem:s19], [sflag:$0x3], $0x80, s29, s17, $0xb8;
	[tilespmem:$0x1E800] =	vst v63  }
0x51: {  	_ =	swait.ge [sflag:s14], $0x3E80  }
0x52: {  	[sflag:s14] =	ssyncset.done $0x0  }
0x53: {  	[sflag:s14] =	ssyncadd.s32 $0xFFFFC180  }
0x54: {  	[tilespmem:s19], [sflag:$0x2] =	stream.indirect.gather [hbm4b:s1+s17], $0x80, s22, s17, $0xb8;
	[tilespmem:$0x1E800] =	vst v63  }
0x55: {  	_ =	swait.ge [sflag:s20], $0x3E80  }
0x56: {  	[sflag:s20] =	ssyncset.done $0x0  }
0x57: {  	[sflag:s20] =	ssyncadd.s32 $0xFFFFC180  }
0x58: {  	[spmem:s2] =	stream.indirect.scatter.add.f32 [tilespmem:s18], [sflag:$0x3], $0x80, s23, s17, $0xb8;
	[tilespmem:$0x1E800] =	vst v63  }
0x59: {  	_ =	swait.ge [sflag:s14], $0x3E80  }
0x5a: {  	[sflag:s14] =	ssyncset.done $0x0  }
0x5b: {  	[sflag:s14] =	ssyncadd.s32 $0xFFFFC180  }
0x5c: {  	_ =	swait.ge [sflag:s21], $0x3E80  }
0x5d: {  	[sflag:s21] =	ssyncset.done $0x0  }
0x5e: {  	[sflag:s21] =	ssyncadd.s32 $0xFFFFC180  }
0x5f: {  	[spmem:s2] =	stream.indirect.scatter.add.f32 [tilespmem:s19], [sflag:$0x3], $0x80, s24, s17, $0xb8;
	[tilespmem:$0x1E800] =	vst v63  }
0x60: {  	_ =	swait.ge [sflag:s14], $0x3E80  }
0x61: {  	[sflag:s14] =	ssyncset.done $0x0  }
0x62: {  	s30 =	simm.s32 $0x0;
	[sflag:s14] =	ssyncadd.s32 $0xFFFFC180  }
0x63: {  	[tilespmem:s15], [sflag:$0x3] =	stream.linear.gather [hbm4b:s9+s30], $0x1400, $0x38;
	[tilespmem:$0x1E800] =	vst v63  }
0x64: {  	_ =	swait.ge [sflag:s14], $0x1400  }
0x65: {  	[sflag:s14] =	ssyncset.done $0x0  }
0x66: {  	[sflag:s14] =	ssyncadd.s32 $0xFFFFEC00  }
0x67: {  	[tilespmem:s16], [sflag:$0x3] =	stream.linear.gather [hbm4b:s10+s30], $0x1400, $0x38;
	[tilespmem:$0x1E800] =	vst v63  }
0x68: {  	_ =	swait.ge [sflag:s14], $0x1400  }
0x69: {  	[sflag:s14] =	ssyncset.done $0x0  }
0x6a: {  	[sflag:s14] =	ssyncadd.s32 $0xFFFFEC00  }
0x6b: {  	[tilespmem:s18], [sflag:$0x1] =	stream.indirect.gather [hbm4b:s1+s17], $0x80, s15, s17, $0xb8;
	[tilespmem:$0x1E800] =	vst v63  }
0x6c: {  	s31 =	simm.s32 $0x14080  }
0x6d: {  	[tilespmem:s19], [sflag:$0x2] =	stream.indirect.gather [hbm4b:s1+s17], $0x80, s31, s17, $0xb8;
	[tilespmem:$0x1E800] =	vst v63  }
0x6e: {  	_ =	swait.ge [sflag:s20], $0x3E80  }
0x6f: {  	[sflag:s20] =	ssyncset.done $0x0  }
0x70: {  	s29 =	simm.s32 $0x15400;
	[sflag:s20] =	ssyncadd.s32 $0xFFFFC180  }
0x71: {  	[spmem:s2] =	stream.indirect.scatter.add.f32 [tilespmem:s18], [sflag:$0x3], $0x80, s29, s17, $0xb8;
	[tilespmem:$0x1E800] =	vst v63  }
0x72: {  	_ =	swait.ge [sflag:s14], $0x3E80  }
0x73: {  	[sflag:s14] =	ssyncset.done $0x0  }
0x74: {  	s30 =	simm.s32 $0x14100;
	[sflag:s14] =	ssyncadd.s32 $0xFFFFC180  }
0x75: {  	[tilespmem:s18], [sflag:$0x1] =	stream.indirect.gather [hbm4b:s1+s17], $0x80, s30, s17, $0xb8;
	[tilespmem:$0x1E800] =	vst v63  }
0x76: {  	_ =	swait.ge [sflag:s21], $0x3E80  }
0x77: {  	[sflag:s21] =	ssyncset.done $0x0  }
0x78: {  	s31 =	simm.s32 $0x15480;
	[sflag:s21] =	ssyncadd.s32 $0xFFFFC180  }
0x79: {  	[spmem:s2] =	stream.indirect.scatter.add.f32 [tilespmem:s19], [sflag:$0x3], $0x80, s31, s17, $0xb8;
	[tilespmem:$0x1E800] =	vst v63  }
0x7a: {  	_ =	swait.ge [sflag:s14], $0x3E80  }
0x7b: {  	s26 =	simm.s32 $0x100;
	s28 =	simm.s32 $0x800;
	[sflag:s14] =	ssyncset.done $0x0  }
.LBB2_4:
0x7c: {  	s29 =	sadd.s32 $0x14080, s26  }
0x7d: {  	[sflag:s14] =	ssyncadd.s32 $0xFFFFC180;
	s30 =	smov.u32 s28;
	s31 =	sadd.s32 $0x400, s28  }
0x7e: {  	[tilespmem:s19], [sflag:$0x2] =	stream.indirect.gather [hbm4b:s1+s17], $0x80, s29, s17, $0xb8;
	[tilespmem:$0x1E800] =	vst v63  }
0x7f: {  	p0 =	sne.s32 s28, $0x4800;
	_ =	swait.ge [sflag:s20], $0x3E80  }
0x80: {  	[sflag:s20] =	ssyncset.done $0x0  }
0x81: {  	s28 =	sadd.s32 $0x15400, s26;
	[sflag:s20] =	ssyncadd.s32 $0xFFFFC180  }
0x82: {  	[spmem:s2] =	stream.indirect.scatter.add.f32 [tilespmem:s18], [sflag:$0x3], $0x80, s28, s17, $0xb8;
	[tilespmem:$0x1E800] =	vst v63  }
0x83: {  	_ =	swait.ge [sflag:s14], $0x3E80  }
0x84: {  	[sflag:s14] =	ssyncset.done $0x0  }
0x85: {  	s28 =	sadd.s32 $0x14100, s26;
	[sflag:s14] =	ssyncadd.s32 $0xFFFFC180  }
0x86: {  	[tilespmem:s18], [sflag:$0x1] =	stream.indirect.gather [hbm4b:s1+s17], $0x80, s28, s17, $0xb8;
	[tilespmem:$0x1E800] =	vst v63  }
0x87: {  	_ =	swait.ge [sflag:s21], $0x3E80  }
.Ltmp1:
0x88: {  	[sflag:s21] =	ssyncset.done $0x0;
	(pc) =	sbr.rel @p0 .LBB2_4-.Ltmp1, $4  }
0x89: {  	s26 =	sadd.s32 $0x15480, s26;
	[sflag:s21] =	ssyncadd.s32 $0xFFFFC180  }
0x8a: {  	[spmem:s2] =	stream.indirect.scatter.add.f32 [tilespmem:s19], [sflag:$0x3], $0x80, s26, s17, $0xb8;
	[tilespmem:$0x1E800] =	vst v63  }
0x8b: {  	_ =	swait.ge [sflag:s14], $0x3E80  }
0x8c: {  	s28 =	smov.u32 s31;
	s26 =	sshra.s32 s30, $0x2;
	[sflag:s14] =	ssyncset.done $0x0  }
0x8d: {  	s28 =	sadd.s32 $0x14080, s26;
	[sflag:s14] =	ssyncadd.s32 $0xFFFFC180  }
0x8e: {  	[tilespmem:s19], [sflag:$0x2] =	stream.indirect.gather [hbm4b:s1+s17], $0x80, s28, s17, $0xb8;
	[tilespmem:$0x1E800] =	vst v63  }
0x8f: {  	_ =	swait.ge [sflag:s20], $0x3E80  }
0x90: {  	[sflag:s20] =	ssyncset.done $0x0  }
0x91: {  	s29 =	sadd.s32 $0x15400, s26;
	[sflag:s20] =	ssyncadd.s32 $0xFFFFC180  }
0x92: {  	[spmem:s2] =	stream.indirect.scatter.add.f32 [tilespmem:s18], [sflag:$0x3], $0x80, s29, s17, $0xb8;
	[tilespmem:$0x1E800] =	vst v63  }
0x93: {  	_ =	swait.ge [sflag:s14], $0x3E80  }
0x94: {  	[sflag:s14] =	ssyncset.done $0x0  }
0x95: {  	s30 =	sadd.s32 $0x14100, s26;
	[sflag:s14] =	ssyncadd.s32 $0xFFFFC180  }
0x96: {  	[tilespmem:s18], [sflag:$0x1] =	stream.indirect.gather [hbm4b:s1+s17], $0x80, s30, s17, $0xb8;
	[tilespmem:$0x1E800] =	vst v63  }
0x97: {  	_ =	swait.ge [sflag:s21], $0x3E80  }
0x98: {  	[sflag:s21] =	ssyncset.done $0x0  }
0x99: {  	s31 =	sadd.s32 $0x15480, s26;
	[sflag:s21] =	ssyncadd.s32 $0xFFFFC180  }
0x9a: {  	[spmem:s2] =	stream.indirect.scatter.add.f32 [tilespmem:s19], [sflag:$0x3], $0x80, s31, s17, $0xb8;
	[tilespmem:$0x1E800] =	vst v63  }
0x9b: {  	_ =	swait.ge [sflag:s14], $0x3E80  }
0x9c: {  	[sflag:s14] =	ssyncset.done $0x0  }
0x9d: {  	[sflag:s14] =	ssyncadd.s32 $0xFFFFC180  }
0x9e: {  	[tilespmem:s19], [sflag:$0x2] =	stream.indirect.gather [hbm4b:s1+s17], $0x80, s22, s17, $0xb8;
	[tilespmem:$0x1E800] =	vst v63  }
0x9f: {  	_ =	swait.ge [sflag:s20], $0x3E80  }
0xa0: {  	[sflag:s20] =	ssyncset.done $0x0  }
0xa1: {  	[sflag:s20] =	ssyncadd.s32 $0xFFFFC180  }
0xa2: {  	[spmem:s2] =	stream.indirect.scatter.add.f32 [tilespmem:s18], [sflag:$0x3], $0x80, s23, s17, $0xb8;
	[tilespmem:$0x1E800] =	vst v63  }
0xa3: {  	_ =	swait.ge [sflag:s14], $0x3E80  }
0xa4: {  	[sflag:s14] =	ssyncset.done $0x0  }
0xa5: {  	[sflag:s14] =	ssyncadd.s32 $0xFFFFC180  }
0xa6: {  	_ =	swait.ge [sflag:s21], $0x3E80  }
0xa7: {  	[sflag:s21] =	ssyncset.done $0x0  }
0xa8: {  	[sflag:s21] =	ssyncadd.s32 $0xFFFFC180  }
0xa9: {  	[spmem:s2] =	stream.indirect.scatter.add.f32 [tilespmem:s19], [sflag:$0x3], $0x80, s24, s17, $0xb8;
	[tilespmem:$0x1E800] =	vst v63  }
0xaa: {  	_ =	swait.ge [sflag:s14], $0x3E80  }
0xab: {  	s25 =	sadd.s32 $0x1, s25;
	[sflag:s14] =	ssyncset.done $0x0  }
0xac: {  	p0 =	sne.s32 s25, s12;
	[sflag:s14] =	ssyncadd.s32 $0xFFFFC180  }
.Ltmp2:
0xad: {  	[bflag:$0x0] =	sbarrier.arrive $0xFFFF;
	(pc) =	sbr.rel @p0 .LBB2_1-.Ltmp2, $4  }
0xae: {  	[hbm:s11], [sflag:s6] =	dma.local [spmem:s13], $0x2800  }
0xaf: {  	_ =	swait.ge [sflag:s14], $0x2800  }
0xb0: {  	[sflag:s14] =	ssyncset.done $0x0  }
0xb1: {  	[sflag:s14] =	ssyncadd.s32 $0xFFFFD800  }
0xb2: {  	_ =	sfence.sel $0x180000  }
0xb3: {  	[bflag:$0x0] =	sbarrier.arrive $0xFFFF  }
0xb4: {  	p0 =	sne.s32 s3, $0x0;
	_ =	strace $0x90000047  }
0xb5: {  	s0 =	sadd.s32 @!p0 $0x100000, s0;
	[bflag:$0x2] =	sbarrier.arrive $0xFFFF  }
0xb6: {  	[sflag:s0] =	ssyncadd.tile.s32 @!p0 $0x1;
	_ =	shalt  }
.Lfunc_end2:
_tile_overlayer_lowered:
.L_overlay_start_2:
0xb7: {  	(tag) =	ssettag $0x2  }
0xb8: {  	s0 =	rddreg [dreg:$0x0];
	s2 =	stileid.u32  }
0xb9: {  	s1 =	rddreg [dreg:$0x1];
	p0 =	sne.s32 s2, $0x0  }
0xba: {  	s3 =	rddreg [dreg:$0x2];
	[bflag:$0x3] =	sbarrier.arrive $0xFFFF;
	s2 =	simm.s32 @!p0 $0x1C03  }
0xbb: {  	[timem:s3], [sflag:s2] =	dma.local @!p0 [hbm:s0], s1  }
0xbc: {  	s0 =	simm.s32 @!p0 $0x3  }
0xbd: {  	_ =	swait.ge @!p0 [sflag:s0], s1  }
0xbe: {  	s1 =	ssub.s32 @!p0 $0x0, s1;
	[sflag:s0] =	ssyncset.done @!p0 $0x0  }
0xbf: {  	[sflag:s0] =	ssyncadd.s32 @!p0 s1  }
0xc0: {  	[bflag:$0x3] =	sbarrier.arrive $0xFFFF  }
0xc1: {  	_ =	shalt  }

// kernel: kernel.13.cloned.1.call-start
scs
__scs_entry_jumppad:
0x0: {  	(pc) =	sbr.rel $0x88, $3  }
0x1: {  	(tag) =	ssettag $0x0;
	lr =	simm.s32 $0x1  }
0x2: {  	[smem:$0x3F97] =	sst lr;
	_ =	strace $0xD0000000  }
0x3: {  	_ = 	snop  }
0x4: {  	_ = 	snop  }
0x5: {  	_ = 	snop  }
0x6: {  	_ = 	snop  }
0x7: {  	_ = 	snop  }
__scs_overlays_trampoline_lowered:
0x8: {  	[smem:$0x3FA6] =	sst s0  }
0x9: {  	[smem:$0x3FA7] =	sst s1  }
0xa: {  	[smem:$0x3FA8] =	sst s2  }
0xb: {  	[smem:$0x3FA9] =	sst s3  }
0xc: {  	[smem:$0x3FAA] =	sst s4  }
0xd: {  	[smem:$0x3FAB] =	sst s5  }
0xe: {  	[smem:$0x3FAC] =	sst s6  }
0xf: {  	[smem:$0x3FAD] =	sst s7  }
0x10: {  	[smem:$0x3FAE] =	sst s8  }
0x11: {  	[smem:$0x3FAF] =	sst s9;
	s0 =	simm.s32 @!p0 $0x0  }
0x12: {  	s1 =	sld [smem:$0x3F95];
	s0 =	simm.s32 @p0 $0x1  }
0x13: {  	[smem:$0x3FB0] =	sst s0;
	s0 =	simm.s32 @!p1 $0x0  }
0x14: {  	s2 =	sld [smem:$0x3F94];
	s0 =	simm.s32 @p1 $0x1  }
0x15: {  	[smem:$0x3FB1] =	sst s0;
	s0 =	simm.s32 @!p2 $0x0  }
0x16: {  	s3 =	sld [smem:$0x3FDB];
	s0 =	simm.s32 @p2 $0x1  }
0x17: {  	s4 =	simm.s32 $0x1BF5;
	[smem:$0x3FB3] =	sst s0  }
0x18: {  	s0 =	sld [smem:$0x3F96];
	_ =	swait.ge [sflag:s4], $0x0  }
0x19: {  	s7 =	sld [smem:$0x3F97]  }
0x1a: {  	s8 =	sadd.s32 $0xFFFFE003, lr  }
0x1b: {  	s9 =	sadd.s32 $0xFFFFFEF7, lr;
	s5 =	simm.s32 $0xFFFFFFFF;
	p2 =	slt.u32 s8, $0xFFFFF086  }
0x1c: {  	p1 =	slt.u32 s9, $0xF7A;
	s5 =	simm.s32 @!p2 $0x0  }
0x1d: {  	s5 =	simm.s32 @p1 $0x1;
	p0 =	seq.s32 s7, s2  }
0x1e: {  	s7 =	smul.u32 @!p0 $0xF7A, s2;
	p2 =	seq.s32 @!p0 s5, $0x0  }
0x1f: {  	s9 =	smul.u32 $0xF7A, s1;
	s8 =	simm.s32 @!p0 $0x1BF5;
	p2 =	por !p2, p0  }
0x20: {  	[sflag:s8] =	ssyncset.s32 @!p0 $0xFFFFF086;
	s6 =	sadd.s32 @!p0 s3, s7;
	s7 =	simm.s32 @!p0 $0x108  }
0x21: {  	s3 =	sadd.s32 s3, s9;
	s6 =	sadd.s32 @!p0 $0x88, s6;
	s7 =	simm.s32 @p2 $0x1082  }
0x22: {  	[simem:s7], [sflag:s8] =	dma.local @!p0 [hbm:s6], $0xF7A  }
0x23: {  	s9 =	sor.u32 $0xD0000000, s2;
	s6 =	simm.s32 $0x108;
	_ =	swait.ge @!p0 [sflag:s8], $0x0  }
0x24: {  	s3 =	sadd.s32 $0x88, s3;
	s6 =	simm.s32 @!p1 $0x1082;
	[sflag:s4] =	ssyncset.s32 $0xFFFFF086  }
0x25: {  	[simem:s6], [sflag:s4] =	dma.local [hbm:s3], $0xF7A  }
0x26: {  	[smem:$0x3F97] =	sst s1;
	(tag) =	ssettag s2;
	_ =	strace s9  }
0x27: {  	s1 =	sld [smem:$0x3FA7]  }
0x28: {  	s2 =	sld [smem:$0x3FA8]  }
0x29: {  	s4 =	sld [smem:$0x3FAA]  }
0x2a: {  	p0 =	seq.s32 s5, $0x0;
	s5 =	sld [smem:$0x3FAB]  }
0x2b: {  	s6 =	sld [smem:$0x3FAC]  }
0x2c: {  	s7 =	sld [smem:$0x3FAD]  }
0x2d: {  	s3 =	simm.s32 $0x108;
	s8 =	sld [smem:$0x3FAE]  }
0x2e: {  	s3 =	simm.s32 @!p0 $0x1082;
	s9 =	sld [smem:$0x3FAF]  }
0x2f: {  	lr =	sadd.s32 s0, s3;
	s0 =	sld [smem:$0x3FA6]  }
0x30: {  	s3 =	sld [smem:$0x3FA9]  }
0x31: {  	[smem:$0x3FB2] =	sst s10  }
0x32: {  	s10 =	sld [smem:$0x3FB0];
	_ =	sdelay $0x3  }
0x33: {  	p0 =	seq.s32 s10, $0x1;
	s10 =	sld [smem:$0x3FB2];
	_ =	sdelay $0x3  }
0x34: {  	[smem:$0x3FB2] =	sst s10  }
0x35: {  	s10 =	sld [smem:$0x3FB1];
	_ =	sdelay $0x3  }
0x36: {  	p1 =	seq.s32 s10, $0x1;
	s10 =	sld [smem:$0x3FB2];
	_ =	sdelay $0x3  }
0x37: {  	[smem:$0x3FB2] =	sst s10  }
0x38: {  	s10 =	sld [smem:$0x3FB3]  }
0x39: {  	_ = 	snop;
	(pc) =	sbr.ind lr, $3  }
0x3a: {  	_ = 	snop  }
0x3b: {  	_ = 	snop  }
0x3c: {  	p2 =	seq.s32 s10, $0x1;
	s10 =	sld [smem:$0x3FB2]  }
0x3d: {  	_ =	shalt  }
0x3e: {  	_ =	shalt  }
0x3f: {  	_ =	shalt  }
0x40: {  	_ =	shalt  }
0x41: {  	_ =	shalt  }
0x42: {  	_ =	shalt  }
0x43: {  	_ =	shalt  }
0x44: {  	_ =	shalt  }
0x45: {  	_ =	shalt  }
0x46: {  	_ =	shalt  }
0x47: {  	_ =	shalt  }
0x48: {  	_ =	shalt  }
0x49: {  	_ =	shalt  }
0x4a: {  	_ =	shalt  }
0x4b: {  	_ =	shalt  }
0x4c: {  	_ =	shalt  }
0x4d: {  	_ =	shalt  }
0x4e: {  	_ =	shalt  }
0x4f: {  	_ =	shalt  }
0x50: {  	_ =	shalt  }
0x51: {  	_ =	shalt  }
0x52: {  	_ =	shalt  }
0x53: {  	_ =	shalt  }
0x54: {  	_ =	shalt  }
0x55: {  	_ =	shalt  }
0x56: {  	_ =	shalt  }
0x57: {  	_ =	shalt  }
0x58: {  	_ =	shalt  }
0x59: {  	_ =	shalt  }
0x5a: {  	_ =	shalt  }
0x5b: {  	_ =	shalt  }
0x5c: {  	_ =	shalt  }
0x5d: {  	_ =	shalt  }
0x5e: {  	_ =	shalt  }
0x5f: {  	_ =	shalt  }
0x60: {  	_ =	shalt  }
0x61: {  	_ =	shalt  }
0x62: {  	_ =	shalt  }
0x63: {  	_ =	shalt  }
0x64: {  	_ =	shalt  }
0x65: {  	_ =	shalt  }
0x66: {  	_ =	shalt  }
0x67: {  	_ =	shalt  }
0x68: {  	_ =	shalt  }
0x69: {  	_ =	shalt  }
0x6a: {  	_ =	shalt  }
0x6b: {  	_ =	shalt  }
0x6c: {  	_ =	shalt  }
0x6d: {  	_ =	shalt  }
0x6e: {  	_ =	shalt  }
0x6f: {  	_ =	shalt  }
0x70: {  	_ =	shalt  }
0x71: {  	_ =	shalt  }
0x72: {  	_ =	shalt  }
0x73: {  	_ =	shalt  }
0x74: {  	_ =	shalt  }
0x75: {  	_ =	shalt  }
0x76: {  	_ =	shalt  }
0x77: {  	_ =	shalt  }
0x78: {  	_ =	shalt  }
0x79: {  	_ =	shalt  }
0x7a: {  	_ =	shalt  }
0x7b: {  	_ =	shalt  }
0x7c: {  	_ =	shalt  }
0x7d: {  	_ =	shalt  }
0x7e: {  	_ =	shalt  }
0x7f: {  	_ =	shalt  }
0x80: {  	_ =	shalt  }
0x81: {  	_ =	shalt  }
0x82: {  	_ =	shalt  }
0x83: {  	_ =	shalt  }
0x84: {  	_ =	shalt  }
0x85: {  	_ =	shalt  }
0x86: {  	_ =	shalt  }
0x87: {  	_ =	shalt  }
.Lfunc_end0:
.L_simem_size_0:
called_computation.2_lowered:
.L_overlay_start_0:
0x88: {  	s2 =	sld [smem:$0x3FD9]  }
0x89: {  	s3 =	sld [smem:$0x3FFE];
	_ =	sdelay $0x1  }
0x8a: {  	s1 =	srdreg.scid  }
0x8b: {  	s0 =	sand.u32 $0x1, s1  }
0x8c: {  	s17 =	sshll.u32 s0, $0xA;
	s2 =	sadd.s32 s3, s2  }
0x8d: {  	s2 =	sadd.s32 s2, s17  }
0x8e: {  	[smem:$0x3FBE] =	sst s2  }
0x8f: {  	_ = 	snop  }
0x90: {  	s2 =	sld [smem:$0x3FD0];
	(tm) =	ssettm $0x1  }
0x91: {  	s18 =	sld [smem:$0x3FFB];
	_ =	sdelay $0x3  }
0x92: {  	_ =	strace s18  }
0x93: {  	s3 =	sld [smem:$0x3FFC];
	_ =	sdelay $0x3  }
0x94: {  	_ =	strace s3  }
0x95: {  	s3 =	sld [smem:$0x3FFD];
	_ =	sdelay $0x3  }
0x96: {  	_ =	strace s3  }
0x97: {  	_ =	strace $0x8FFFFFFF  }
0x98: {  	s19 =	sld [smem:$0x3FDB];
	_ =	sdelay $0x1  }
0x99: {  	s4 =	simm.s32 $_scs_section_size  }
0x9a: {  	s5 =	simm.s32 $_size__tile_overlayer_lowered;
	s6 =	simm.s32 $_tile_overlayer_lowered  }
0x9b: {  	s22 =	simm.s32 $0x1BFF;
	s21 =	sshll.u32 s6, $0x1;
	s3 =	sadd.s32 s4, s19  }
0x9c: {  	s7 =	simm.s32 $0x0;
	s20 =	sshll.u32 s5, $0x1;
	s5 =	sadd.s32 s21, s3  }
0x9d: {  	[timem:s7], [sflag:s22] =	dma.local [hbm:s5], s20  }
0x9e: {  	_ =	swait.ge [sflag:s22], s20  }
0x9f: {  	s4 =	ssub.s32 $0x0, s20;
	[sflag:s22] =	ssyncset.done $0x0  }
0xa0: {  	[sflag:s22] =	ssyncadd.s32 s4;
	_ =	sdelay $0x1  }
0xa1: {  	s23 =	simm.s32 $0x1B8B  }
0xa2: {  	_ =	swait.ge [sflag:s23], $0x1  }
0xa3: {  	[sflag:s23] =	ssyncset.done $0x0  }
0xa4: {  	s25 =	simm.s32 $0x1B8E;
	s24 =	sld [smem:$0x3FFE];
	[sflag:s23] =	ssyncadd.s32 $0xFFFFFFFF  }
0xa5: {  	s26 =	simm.s32 $execute0_lowered;
	[smem:$0x3FD2] =	sst s25  }
0xa6: {  	s5 =	sshll.u32 s26, $0x1;
	_ =	strace $0x8000004C;
	[dreg:$0x1] =	wrdreg $0xFFFFFFFF  }
0xa7: {  	s28 =	simm.s32 $_size_execute0_lowered;
	s3 =	sadd.s32 s3, s5;
	[dreg:$0x0] =	wrdreg $0x0  }
0xa8: {  	s5 =	sshll.u32 s28, $0x1;
	[dreg:$0x2] =	wrdreg s3  }
0xa9: {  	[dreg:$0x3] =	wrdreg s5  }
0xaa: {  	[dreg:$0x4] =	wrdreg $0xC0  }
0xab: {  	_ =	task [dreg:s7], $0x5FFFF  }
0xac: {  	[dreg:$0x1] =	wrdreg $0xFFFFFFFF  }
0xad: {  	[dreg:$0x0] =	wrdreg $0x60  }
0xae: {  	[dreg:$0x2] =	wrdreg s24  }
0xaf: {  	[dreg:$0x3] =	wrdreg s2  }
0xb0: {  	[dreg:$0x4] =	wrdreg $0x0  }
0xb1: {  	[dreg:$0x5] =	wrdreg $0x9  }
0xb2: {  	_ =	task.clear_ibuf [dreg:s7], $0x6FFFF;
	_ =	strace $0x9000004C  }
0xb3: {  	s29 =	simm.s32 $0x9;
	_ =	strace $0x8000004E  }
0xb4: {  	_ =	swait.ge [sflag:s29], $0x1  }
0xb5: {  	[sflag:s29] =	ssyncadd.s32 $0xFFFFFFFF  }
0xb6: {  	_ =	strace $0x9000004E  }
0xb7: {  	_ =	sfence  }
0xb8: {  	s30 =	sld [smem:$0x0];
	_ =	sdelay $0x2  }
0xb9: {  	s31 =	sshll.u32 s1, $0xD;
	s1 =	sshrl.u32 s1, $0x2  }
0xba: {  	s3 =	sand.u32 $0x4000, s31;
	s1 =	sadd.s32 s1, s30  }
0xbb: {  	s0 =	sor.u32 s3, s0;
	s1 =	sshll.u32 s1, $0x11  }
0xbc: {  	s0 =	sor.u32 s1, s0  }
0xbd: {  	s0 =	sadd.s32 $0x8F2B, s0  }
0xbe: {  	[sflag:s0] =	ssyncadd.remote.s32 $0x1  }
0xbf: {  	_ =	sfence.sel $0xFFFF  }
0xc0: {  	[dreg:$0x0] =	wrdreg $0xFFFFFFFF;
	(pc) =	sbr.abs _section_cstart, $3  }
0xc1: {  	[dreg:$0x1] =	wrdreg $0xFFFFFFFF  }
0xc2: {  	_ =	task.clear_ibuf [dreg:s7], $0x2FFFF;
	_ =	strace $0x9FFFFFFF  }
0xc3: {  	(tm) =	ssettm $0x7FFFFFFF  }
tec
execute0_lowered:
.L_overlay_start_1:
0x0: {  	(tag) =	ssettag $0x1  }
0x1: {  	s6 =	rddreg [dreg:$0x0]  }
0x2: {  	s9 =	rddreg [dreg:$0x1]  }
0x3: {  	s1 =	rddreg [dreg:$0x2]  }
0x4: {  	s2 =	srdreg.scid;
	s0 =	rddreg [dreg:$0x3]  }
0x5: {  	s3 =	simm.s32 $0x0;
	s16 =	simm.s32 $0x15400;
	s17 =	simm.s32 $0x7D  }
0x6: {  	s18 =	simm.s32 $0x16800;
	s19 =	simm.s32 $0x1A800;
	s20 =	simm.s32 $0x1  }
0x7: {  	s21 =	simm.s32 $0x2;
	s22 =	simm.s32 $0x15380;
	s23 =	simm.s32 $0x16700  }
0x8: {  	s24 =	simm.s32 $0x16780;
	s25 =	simm.s32 $0x0;
	s7 =	sand.u32 $0x1, s2  }
0x9: {  	s2 =	stileid.u32;
	[smem:$0x7FF] =	sst s3;
	s4 =	sadd.s32 $0xEC00, s6  }
0xa: {  	s11 =	sadd.s32 $0x2400, s6;
	s5 =	sadd.s32 $0xC400, s6;
	s8 =	smul.u32 $0x140000, s7  }
0xb: {  	s10 =	smul.u32 $0x14000, s2;
	_ =	strace $0x8000004D;
	s28 =	sshll.u32 s7, $0x4  }
0xc: {  	s7 =	ssub.s32 $0x2, s7;
	s12 =	smul.u32 $0x50000, s2;
	s30 =	sshll.u32 s2, $0x6  }
0xd: {  	s13 =	sshrl.u32 s7, $0x1;
	s8 =	sadd.s32 s10, s8;
	s10 =	sor.u32 s2, s28  }
0xe: {  	s13 =	ssub.s32 s7, s13;
	s29 =	sshrl.u32 s12, $0x2;
	s10 =	smul.u32 $0x2800, s10  }
0xf: {  	s8 =	sshrl.u32 s8, $0x3;
	s15 =	sadd.s32 s29, s1;
	s12 =	smax.u32 s13, $0x1  }
0x10: {  	s14 =	sadd.s32 s8, s6;
	s6 =	sor.u32 $0x1C03, s30;
	s31 =	sshrl.u32 s10, $0x3  }
0x11: {  	s13 =	sshrl.u32 s15, $0x3;
	s15 =	simm.s32 $0x14000;
	s10 =	sadd.s32 $0x280, s31  }
0x12: {  	s7 =	sadd.s32 s9, s31;
	s8 =	sadd.s32 s11, s31;
	s9 =	sadd.s32 s9, s10  }
0x13: {  	s10 =	sadd.s32 s11, s10;
	s11 =	sadd.s32 $0xAF400, s14;
	s14 =	simm.s32 $0x3  }
.LBB2_1:
0x14: {  	[spmem:s13], [sflag:s6] =	dma.local [hbm:s5], $0x2800  }
0x15: {  	_ =	swait.ge [sflag:s14], $0x2800  }
0x16: {  	[sflag:s14] =	ssyncset.done $0x0  }
0x17: {  	[sflag:s14] =	ssyncadd.s32 $0xFFFFD800  }
0x18: {  	[bflag:$0x0] =	sbarrier.arrive $0xFFFF  }
0x19: {  	[tilespmem:s15], [sflag:$0x3] =	stream.linear.gather [hbm4b:s7+s3], $0x1400, $0x38;
	[tilespmem:$0x1E800] =	vst v63  }
0x1a: {  	_ =	swait.ge [sflag:s14], $0x1400  }
0x1b: {  	[sflag:s14] =	ssyncset.done $0x0  }
0x1c: {  	[sflag:s14] =	ssyncadd.s32 $0xFFFFEC00  }
0x1d: {  	[tilespmem:s16], [sflag:$0x3] =	stream.linear.gather [hbm4b:s8+s3], $0x1400, $0x38;
	[tilespmem:$0x1E800] =	vst v63  }
0x1e: {  	_ =	swait.ge [sflag:s14], $0x1400  }
0x1f: {  	[sflag:s14] =	ssyncset.done $0x0  }
0x20: {  	[sflag:s14] =	ssyncadd.s32 $0xFFFFEC00  }
0x21: {  	[tilespmem:s18], [sflag:$0x1] =	stream.indirect.gather [hbm4b:s4+s17], $0x80, s15, s17, $0xb8;
	[tilespmem:$0x1E800] =	vst v63  }
0x22: {  	s26 =	simm.s32 $0x14080  }
0x23: {  	[tilespmem:s19], [sflag:$0x2] =	stream.indirect.gather [hbm4b:s4+s17], $0x80, s26, s17, $0xb8;
	[tilespmem:$0x1E800] =	vst v63  }
0x24: {  	_ =	swait.ge [sflag:s20], $0x3E80  }
0x25: {  	[sflag:s20] =	ssyncset.done $0x0  }
0x26: {  	s29 =	simm.s32 $0x15400;
	[sflag:s20] =	ssyncadd.s32 $0xFFFFC180  }
0x27: {  	[spmem:s1] =	stream.indirect.scatter.add.f32 [tilespmem:s18], [sflag:$0x3], $0x80, s29, s17, $0xb8;
	[tilespmem:$0x1E800] =	vst v63  }
0x28: {  	_ =	swait.ge [sflag:s14], $0x3E80  }
0x29: {  	[sflag:s14] =	ssyncset.done $0x0  }
0x2a: {  	s30 =	simm.s32 $0x14100;
	[sflag:s14] =	ssyncadd.s32 $0xFFFFC180  }
0x2b: {  	[tilespmem:s18], [sflag:$0x1] =	stream.indirect.gather [hbm4b:s4+s17], $0x80, s30, s17, $0xb8;
	[tilespmem:$0x1E800] =	vst v63  }
0x2c: {  	_ =	swait.ge [sflag:s21], $0x3E80  }
0x2d: {  	[sflag:s21] =	ssyncset.done $0x0  }
0x2e: {  	s31 =	simm.s32 $0x15480;
	[sflag:s21] =	ssyncadd.s32 $0xFFFFC180  }
0x2f: {  	[spmem:s1] =	stream.indirect.scatter.add.f32 [tilespmem:s19], [sflag:$0x3], $0x80, s31, s17, $0xb8;
	[tilespmem:$0x1E800] =	vst v63  }
0x30: {  	_ =	swait.ge [sflag:s14], $0x3E80  }
0x31: {  	s28 =	simm.s32 $0x800;
	s26 =	simm.s32 $0x100;
	[sflag:s14] =	ssyncset.done $0x0  }
.LBB2_2:
0x32: {  	s29 =	sadd.s32 $0x14080, s26  }
0x33: {  	[sflag:s14] =	ssyncadd.s32 $0xFFFFC180;
	s30 =	smov.u32 s28;
	s31 =	sadd.s32 $0x400, s28  }
0x34: {  	[tilespmem:s19], [sflag:$0x2] =	stream.indirect.gather [hbm4b:s4+s17], $0x80, s29, s17, $0xb8;
	[tilespmem:$0x1E800] =	vst v63  }
0x35: {  	p0 =	sne.s32 s28, $0x4800;
	_ =	swait.ge [sflag:s20], $0x3E80  }
0x36: {  	[sflag:s20] =	ssyncset.done $0x0  }
0x37: {  	s28 =	sadd.s32 $0x15400, s26;
	[sflag:s20] =	ssyncadd.s32 $0xFFFFC180  }
0x38: {  	[spmem:s1] =	stream.indirect.scatter.add.f32 [tilespmem:s18], [sflag:$0x3], $0x80, s28, s17, $0xb8;
	[tilespmem:$0x1E800] =	vst v63  }
0x39: {  	_ =	swait.ge [sflag:s14], $0x3E80  }
0x3a: {  	[sflag:s14] =	ssyncset.done $0x0  }
0x3b: {  	s28 =	sadd.s32 $0x14100, s26;
	[sflag:s14] =	ssyncadd.s32 $0xFFFFC180  }
0x3c: {  	[tilespmem:s18], [sflag:$0x1] =	stream.indirect.gather [hbm4b:s4+s17], $0x80, s28, s17, $0xb8;
	[tilespmem:$0x1E800] =	vst v63  }
0x3d: {  	_ =	swait.ge [sflag:s21], $0x3E80  }
.Ltmp0:
0x3e: {  	[sflag:s21] =	ssyncset.done $0x0;
	(pc) =	sbr.rel @p0 .LBB2_2-.Ltmp0, $4  }
0x3f: {  	s26 =	sadd.s32 $0x15480, s26;
	[sflag:s21] =	ssyncadd.s32 $0xFFFFC180  }
0x40: {  	[spmem:s1] =	stream.indirect.scatter.add.f32 [tilespmem:s19], [sflag:$0x3], $0x80, s26, s17, $0xb8;
	[tilespmem:$0x1E800] =	vst v63  }
0x41: {  	_ =	swait.ge [sflag:s14], $0x3E80  }
0x42: {  	s28 =	smov.u32 s31;
	s26 =	sshra.s32 s30, $0x2;
	[sflag:s14] =	ssyncset.done $0x0  }
0x43: {  	s28 =	sadd.s32 $0x14080, s26;
	[sflag:s14] =	ssyncadd.s32 $0xFFFFC180  }
0x44: {  	[tilespmem:s19], [sflag:$0x2] =	stream.indirect.gather [hbm4b:s4+s17], $0x80, s28, s17, $0xb8;
	[tilespmem:$0x1E800] =	vst v63  }
0x45: {  	_ =	swait.ge [sflag:s20], $0x3E80  }
0x46: {  	[sflag:s20] =	ssyncset.done $0x0  }
0x47: {  	s28 =	sadd.s32 $0x15400, s26;
	[sflag:s20] =	ssyncadd.s32 $0xFFFFC180  }
0x48: {  	[spmem:s1] =	stream.indirect.scatter.add.f32 [tilespmem:s18], [sflag:$0x3], $0x80, s28, s17, $0xb8;
	[tilespmem:$0x1E800] =	vst v63  }
0x49: {  	_ =	swait.ge [sflag:s14], $0x3E80  }
0x4a: {  	[sflag:s14] =	ssyncset.done $0x0  }
0x4b: {  	s28 =	sadd.s32 $0x14100, s26;
	[sflag:s14] =	ssyncadd.s32 $0xFFFFC180  }
0x4c: {  	[tilespmem:s18], [sflag:$0x1] =	stream.indirect.gather [hbm4b:s4+s17], $0x80, s28, s17, $0xb8;
	[tilespmem:$0x1E800] =	vst v63  }
0x4d: {  	_ =	swait.ge [sflag:s21], $0x3E80  }
0x4e: {  	[sflag:s21] =	ssyncset.done $0x0  }
0x4f: {  	s29 =	sadd.s32 $0x15480, s26;
	[sflag:s21] =	ssyncadd.s32 $0xFFFFC180  }
0x50: {  	[spmem:s1] =	stream.indirect.scatter.add.f32 [tilespmem:s19], [sflag:$0x3], $0x80, s29, s17, $0xb8;
	[tilespmem:$0x1E800] =	vst v63  }
0x51: {  	_ =	swait.ge [sflag:s14], $0x3E80  }
0x52: {  	[sflag:s14] =	ssyncset.done $0x0  }
0x53: {  	[sflag:s14] =	ssyncadd.s32 $0xFFFFC180  }
0x54: {  	[tilespmem:s19], [sflag:$0x2] =	stream.indirect.gather [hbm4b:s4+s17], $0x80, s22, s17, $0xb8;
	[tilespmem:$0x1E800] =	vst v63  }
0x55: {  	_ =	swait.ge [sflag:s20], $0x3E80  }
0x56: {  	[sflag:s20] =	ssyncset.done $0x0  }
0x57: {  	[sflag:s20] =	ssyncadd.s32 $0xFFFFC180  }
0x58: {  	[spmem:s1] =	stream.indirect.scatter.add.f32 [tilespmem:s18], [sflag:$0x3], $0x80, s23, s17, $0xb8;
	[tilespmem:$0x1E800] =	vst v63  }
0x59: {  	_ =	swait.ge [sflag:s14], $0x3E80  }
0x5a: {  	[sflag:s14] =	ssyncset.done $0x0  }
0x5b: {  	[sflag:s14] =	ssyncadd.s32 $0xFFFFC180  }
0x5c: {  	_ =	swait.ge [sflag:s21], $0x3E80  }
0x5d: {  	[sflag:s21] =	ssyncset.done $0x0  }
0x5e: {  	[sflag:s21] =	ssyncadd.s32 $0xFFFFC180  }
0x5f: {  	[spmem:s1] =	stream.indirect.scatter.add.f32 [tilespmem:s19], [sflag:$0x3], $0x80, s24, s17, $0xb8;
	[tilespmem:$0x1E800] =	vst v63  }
0x60: {  	_ =	swait.ge [sflag:s14], $0x3E80  }
0x61: {  	[sflag:s14] =	ssyncset.done $0x0  }
0x62: {  	s30 =	simm.s32 $0x0;
	[sflag:s14] =	ssyncadd.s32 $0xFFFFC180  }
0x63: {  	[tilespmem:s15], [sflag:$0x3] =	stream.linear.gather [hbm4b:s9+s30], $0x1400, $0x38;
	[tilespmem:$0x1E800] =	vst v63  }
0x64: {  	_ =	swait.ge [sflag:s14], $0x1400  }
0x65: {  	[sflag:s14] =	ssyncset.done $0x0  }
0x66: {  	[sflag:s14] =	ssyncadd.s32 $0xFFFFEC00  }
0x67: {  	[tilespmem:s16], [sflag:$0x3] =	stream.linear.gather [hbm4b:s10+s30], $0x1400, $0x38;
	[tilespmem:$0x1E800] =	vst v63  }
0x68: {  	_ =	swait.ge [sflag:s14], $0x1400  }
0x69: {  	[sflag:s14] =	ssyncset.done $0x0  }
0x6a: {  	[sflag:s14] =	ssyncadd.s32 $0xFFFFEC00  }
0x6b: {  	[tilespmem:s18], [sflag:$0x1] =	stream.indirect.gather [hbm4b:s4+s17], $0x80, s15, s17, $0xb8;
	[tilespmem:$0x1E800] =	vst v63  }
0x6c: {  	s31 =	simm.s32 $0x14080  }
0x6d: {  	[tilespmem:s19], [sflag:$0x2] =	stream.indirect.gather [hbm4b:s4+s17], $0x80, s31, s17, $0xb8;
	[tilespmem:$0x1E800] =	vst v63  }
0x6e: {  	_ =	swait.ge [sflag:s20], $0x3E80  }
0x6f: {  	[sflag:s20] =	ssyncset.done $0x0  }
0x70: {  	s29 =	simm.s32 $0x15400;
	[sflag:s20] =	ssyncadd.s32 $0xFFFFC180  }
0x71: {  	[spmem:s1] =	stream.indirect.scatter.add.f32 [tilespmem:s18], [sflag:$0x3], $0x80, s29, s17, $0xb8;
	[tilespmem:$0x1E800] =	vst v63  }
0x72: {  	_ =	swait.ge [sflag:s14], $0x3E80  }
0x73: {  	[sflag:s14] =	ssyncset.done $0x0  }
0x74: {  	s30 =	simm.s32 $0x14100;
	[sflag:s14] =	ssyncadd.s32 $0xFFFFC180  }
0x75: {  	[tilespmem:s18], [sflag:$0x1] =	stream.indirect.gather [hbm4b:s4+s17], $0x80, s30, s17, $0xb8;
	[tilespmem:$0x1E800] =	vst v63  }
0x76: {  	_ =	swait.ge [sflag:s21], $0x3E80  }
0x77: {  	[sflag:s21] =	ssyncset.done $0x0  }
0x78: {  	s31 =	simm.s32 $0x15480;
	[sflag:s21] =	ssyncadd.s32 $0xFFFFC180  }
0x79: {  	[spmem:s1] =	stream.indirect.scatter.add.f32 [tilespmem:s19], [sflag:$0x3], $0x80, s31, s17, $0xb8;
	[tilespmem:$0x1E800] =	vst v63  }
0x7a: {  	_ =	swait.ge [sflag:s14], $0x3E80  }
0x7b: {  	s26 =	simm.s32 $0x100;
	s28 =	simm.s32 $0x800;
	[sflag:s14] =	ssyncset.done $0x0  }
.LBB2_4:
0x7c: {  	s29 =	sadd.s32 $0x14080, s26  }
0x7d: {  	[sflag:s14] =	ssyncadd.s32 $0xFFFFC180;
	s30 =	smov.u32 s28;
	s31 =	sadd.s32 $0x400, s28  }
0x7e: {  	[tilespmem:s19], [sflag:$0x2] =	stream.indirect.gather [hbm4b:s4+s17], $0x80, s29, s17, $0xb8;
	[tilespmem:$0x1E800] =	vst v63  }
0x7f: {  	p0 =	sne.s32 s28, $0x4800;
	_ =	swait.ge [sflag:s20], $0x3E80  }
0x80: {  	[sflag:s20] =	ssyncset.done $0x0  }
0x81: {  	s28 =	sadd.s32 $0x15400, s26;
	[sflag:s20] =	ssyncadd.s32 $0xFFFFC180  }
0x82: {  	[spmem:s1] =	stream.indirect.scatter.add.f32 [tilespmem:s18], [sflag:$0x3], $0x80, s28, s17, $0xb8;
	[tilespmem:$0x1E800] =	vst v63  }
0x83: {  	_ =	swait.ge [sflag:s14], $0x3E80  }
0x84: {  	[sflag:s14] =	ssyncset.done $0x0  }
0x85: {  	s28 =	sadd.s32 $0x14100, s26;
	[sflag:s14] =	ssyncadd.s32 $0xFFFFC180  }
0x86: {  	[tilespmem:s18], [sflag:$0x1] =	stream.indirect.gather [hbm4b:s4+s17], $0x80, s28, s17, $0xb8;
	[tilespmem:$0x1E800] =	vst v63  }
0x87: {  	_ =	swait.ge [sflag:s21], $0x3E80  }
.Ltmp1:
0x88: {  	[sflag:s21] =	ssyncset.done $0x0;
	(pc) =	sbr.rel @p0 .LBB2_4-.Ltmp1, $4  }
0x89: {  	s26 =	sadd.s32 $0x15480, s26;
	[sflag:s21] =	ssyncadd.s32 $0xFFFFC180  }
0x8a: {  	[spmem:s1] =	stream.indirect.scatter.add.f32 [tilespmem:s19], [sflag:$0x3], $0x80, s26, s17, $0xb8;
	[tilespmem:$0x1E800] =	vst v63  }
0x8b: {  	_ =	swait.ge [sflag:s14], $0x3E80  }
0x8c: {  	s28 =	smov.u32 s31;
	s26 =	sshra.s32 s30, $0x2;
	[sflag:s14] =	ssyncset.done $0x0  }
0x8d: {  	s28 =	sadd.s32 $0x14080, s26;
	[sflag:s14] =	ssyncadd.s32 $0xFFFFC180  }
0x8e: {  	[tilespmem:s19], [sflag:$0x2] =	stream.indirect.gather [hbm4b:s4+s17], $0x80, s28, s17, $0xb8;
	[tilespmem:$0x1E800] =	vst v63  }
0x8f: {  	_ =	swait.ge [sflag:s20], $0x3E80  }
0x90: {  	[sflag:s20] =	ssyncset.done $0x0  }
0x91: {  	s29 =	sadd.s32 $0x15400, s26;
	[sflag:s20] =	ssyncadd.s32 $0xFFFFC180  }
0x92: {  	[spmem:s1] =	stream.indirect.scatter.add.f32 [tilespmem:s18], [sflag:$0x3], $0x80, s29, s17, $0xb8;
	[tilespmem:$0x1E800] =	vst v63  }
0x93: {  	_ =	swait.ge [sflag:s14], $0x3E80  }
0x94: {  	[sflag:s14] =	ssyncset.done $0x0  }
0x95: {  	s30 =	sadd.s32 $0x14100, s26;
	[sflag:s14] =	ssyncadd.s32 $0xFFFFC180  }
0x96: {  	[tilespmem:s18], [sflag:$0x1] =	stream.indirect.gather [hbm4b:s4+s17], $0x80, s30, s17, $0xb8;
	[tilespmem:$0x1E800] =	vst v63  }
0x97: {  	_ =	swait.ge [sflag:s21], $0x3E80  }
0x98: {  	[sflag:s21] =	ssyncset.done $0x0  }
0x99: {  	s31 =	sadd.s32 $0x15480, s26;
	[sflag:s21] =	ssyncadd.s32 $0xFFFFC180  }
0x9a: {  	[spmem:s1] =	stream.indirect.scatter.add.f32 [tilespmem:s19], [sflag:$0x3], $0x80, s31, s17, $0xb8;
	[tilespmem:$0x1E800] =	vst v63  }
0x9b: {  	_ =	swait.ge [sflag:s14], $0x3E80  }
0x9c: {  	[sflag:s14] =	ssyncset.done $0x0  }
0x9d: {  	[sflag:s14] =	ssyncadd.s32 $0xFFFFC180  }
0x9e: {  	[tilespmem:s19], [sflag:$0x2] =	stream.indirect.gather [hbm4b:s4+s17], $0x80, s22, s17, $0xb8;
	[tilespmem:$0x1E800] =	vst v63  }
0x9f: {  	_ =	swait.ge [sflag:s20], $0x3E80  }
0xa0: {  	[sflag:s20] =	ssyncset.done $0x0  }
0xa1: {  	[sflag:s20] =	ssyncadd.s32 $0xFFFFC180  }
0xa2: {  	[spmem:s1] =	stream.indirect.scatter.add.f32 [tilespmem:s18], [sflag:$0x3], $0x80, s23, s17, $0xb8;
	[tilespmem:$0x1E800] =	vst v63  }
0xa3: {  	_ =	swait.ge [sflag:s14], $0x3E80  }
0xa4: {  	[sflag:s14] =	ssyncset.done $0x0  }
0xa5: {  	[sflag:s14] =	ssyncadd.s32 $0xFFFFC180  }
0xa6: {  	_ =	swait.ge [sflag:s21], $0x3E80  }
0xa7: {  	[sflag:s21] =	ssyncset.done $0x0  }
0xa8: {  	[sflag:s21] =	ssyncadd.s32 $0xFFFFC180  }
0xa9: {  	[spmem:s1] =	stream.indirect.scatter.add.f32 [tilespmem:s19], [sflag:$0x3], $0x80, s24, s17, $0xb8;
	[tilespmem:$0x1E800] =	vst v63  }
0xaa: {  	_ =	swait.ge [sflag:s14], $0x3E80  }
0xab: {  	s25 =	sadd.s32 $0x1, s25;
	[sflag:s14] =	ssyncset.done $0x0  }
0xac: {  	p0 =	sne.s32 s25, s12;
	[sflag:s14] =	ssyncadd.s32 $0xFFFFC180  }
.Ltmp2:
0xad: {  	[bflag:$0x0] =	sbarrier.arrive $0xFFFF;
	(pc) =	sbr.rel @p0 .LBB2_1-.Ltmp2, $4  }
0xae: {  	[hbm:s11], [sflag:s6] =	dma.local [spmem:s13], $0x2800  }
0xaf: {  	_ =	swait.ge [sflag:s14], $0x2800  }
0xb0: {  	[sflag:s14] =	ssyncset.done $0x0  }
0xb1: {  	[sflag:s14] =	ssyncadd.s32 $0xFFFFD800  }
0xb2: {  	_ =	sfence.sel $0x180000  }
0xb3: {  	[bflag:$0x0] =	sbarrier.arrive $0xFFFF  }
0xb4: {  	p0 =	sne.s32 s2, $0x0;
	_ =	strace $0x9000004D  }
0xb5: {  	s0 =	sadd.s32 @!p0 $0x100000, s0;
	[bflag:$0x2] =	sbarrier.arrive $0xFFFF  }
0xb6: {  	[sflag:s0] =	ssyncadd.tile.s32 @!p0 $0x1;
	_ =	shalt  }
.Lfunc_end2:
_tile_overlayer_lowered:
.L_overlay_start_2:
0xb7: {  	(tag) =	ssettag $0x2  }
0xb8: {  	s0 =	rddreg [dreg:$0x0];
	s2 =	stileid.u32  }
0xb9: {  	s1 =	rddreg [dreg:$0x1];
	p0 =	sne.s32 s2, $0x0  }
0xba: {  	s3 =	rddreg [dreg:$0x2];
	[bflag:$0x3] =	sbarrier.arrive $0xFFFF;
	s2 =	simm.s32 @!p0 $0x1C03  }
0xbb: {  	[timem:s3], [sflag:s2] =	dma.local @!p0 [hbm:s0], s1  }
0xbc: {  	s0 =	simm.s32 @!p0 $0x3  }
0xbd: {  	_ =	swait.ge @!p0 [sflag:s0], s1  }
0xbe: {  	s1 =	ssub.s32 @!p0 $0x0, s1;
	[sflag:s0] =	ssyncset.done @!p0 $0x0  }
0xbf: {  	[sflag:s0] =	ssyncadd.s32 @!p0 s1  }
0xc0: {  	[bflag:$0x3] =	sbarrier.arrive $0xFFFF  }
0xc1: {  	_ =	shalt  }

// kernel: kernel.7.cloned.1.call-start
scs
__scs_entry_jumppad:
0x0: {  	(pc) =	sbr.rel $0x88, $3  }
0x1: {  	(tag) =	ssettag $0x0;
	lr =	simm.s32 $0x1  }
0x2: {  	[smem:$0x3F97] =	sst lr;
	_ =	strace $0xD0000000  }
0x3: {  	_ = 	snop  }
0x4: {  	_ = 	snop  }
0x5: {  	_ = 	snop  }
0x6: {  	_ = 	snop  }
0x7: {  	_ = 	snop  }
__scs_overlays_trampoline_lowered:
0x8: {  	[smem:$0x3FA6] =	sst s0  }
0x9: {  	[smem:$0x3FA7] =	sst s1  }
0xa: {  	[smem:$0x3FA8] =	sst s2  }
0xb: {  	[smem:$0x3FA9] =	sst s3  }
0xc: {  	[smem:$0x3FAA] =	sst s4  }
0xd: {  	[smem:$0x3FAB] =	sst s5  }
0xe: {  	[smem:$0x3FAC] =	sst s6  }
0xf: {  	[smem:$0x3FAD] =	sst s7  }
0x10: {  	[smem:$0x3FAE] =	sst s8  }
0x11: {  	[smem:$0x3FAF] =	sst s9;
	s0 =	simm.s32 @!p0 $0x0  }
0x12: {  	s1 =	sld [smem:$0x3F95];
	s0 =	simm.s32 @p0 $0x1  }
0x13: {  	[smem:$0x3FB0] =	sst s0;
	s0 =	simm.s32 @!p1 $0x0  }
0x14: {  	s2 =	sld [smem:$0x3F94];
	s0 =	simm.s32 @p1 $0x1  }
0x15: {  	[smem:$0x3FB1] =	sst s0;
	s0 =	simm.s32 @!p2 $0x0  }
0x16: {  	s3 =	sld [smem:$0x3FDB];
	s0 =	simm.s32 @p2 $0x1  }
0x17: {  	s4 =	simm.s32 $0x1BF5;
	[smem:$0x3FB3] =	sst s0  }
0x18: {  	s0 =	sld [smem:$0x3F96];
	_ =	swait.ge [sflag:s4], $0x0  }
0x19: {  	s7 =	sld [smem:$0x3F97]  }
0x1a: {  	s8 =	sadd.s32 $0xFFFFE003, lr  }
0x1b: {  	s9 =	sadd.s32 $0xFFFFFEF7, lr;
	s5 =	simm.s32 $0xFFFFFFFF;
	p2 =	slt.u32 s8, $0xFFFFF086  }
0x1c: {  	p1 =	slt.u32 s9, $0xF7A;
	s5 =	simm.s32 @!p2 $0x0  }
0x1d: {  	s5 =	simm.s32 @p1 $0x1;
	p0 =	seq.s32 s7, s2  }
0x1e: {  	s7 =	smul.u32 @!p0 $0xF7A, s2;
	p2 =	seq.s32 @!p0 s5, $0x0  }
0x1f: {  	s9 =	smul.u32 $0xF7A, s1;
	s8 =	simm.s32 @!p0 $0x1BF5;
	p2 =	por !p2, p0  }
0x20: {  	[sflag:s8] =	ssyncset.s32 @!p0 $0xFFFFF086;
	s6 =	sadd.s32 @!p0 s3, s7;
	s7 =	simm.s32 @!p0 $0x108  }
0x21: {  	s3 =	sadd.s32 s3, s9;
	s6 =	sadd.s32 @!p0 $0x88, s6;
	s7 =	simm.s32 @p2 $0x1082  }
0x22: {  	[simem:s7], [sflag:s8] =	dma.local @!p0 [hbm:s6], $0xF7A  }
0x23: {  	s9 =	sor.u32 $0xD0000000, s2;
	s6 =	simm.s32 $0x108;
	_ =	swait.ge @!p0 [sflag:s8], $0x0  }
0x24: {  	s3 =	sadd.s32 $0x88, s3;
	s6 =	simm.s32 @!p1 $0x1082;
	[sflag:s4] =	ssyncset.s32 $0xFFFFF086  }
0x25: {  	[simem:s6], [sflag:s4] =	dma.local [hbm:s3], $0xF7A  }
0x26: {  	[smem:$0x3F97] =	sst s1;
	(tag) =	ssettag s2;
	_ =	strace s9  }
0x27: {  	s1 =	sld [smem:$0x3FA7]  }
0x28: {  	s2 =	sld [smem:$0x3FA8]  }
0x29: {  	s4 =	sld [smem:$0x3FAA]  }
0x2a: {  	p0 =	seq.s32 s5, $0x0;
	s5 =	sld [smem:$0x3FAB]  }
0x2b: {  	s6 =	sld [smem:$0x3FAC]  }
0x2c: {  	s7 =	sld [smem:$0x3FAD]  }
0x2d: {  	s3 =	simm.s32 $0x108;
	s8 =	sld [smem:$0x3FAE]  }
0x2e: {  	s3 =	simm.s32 @!p0 $0x1082;
	s9 =	sld [smem:$0x3FAF]  }
0x2f: {  	lr =	sadd.s32 s0, s3;
	s0 =	sld [smem:$0x3FA6]  }
0x30: {  	s3 =	sld [smem:$0x3FA9]  }
0x31: {  	[smem:$0x3FB2] =	sst s10  }
0x32: {  	s10 =	sld [smem:$0x3FB0];
	_ =	sdelay $0x3  }
0x33: {  	p0 =	seq.s32 s10, $0x1;
	s10 =	sld [smem:$0x3FB2];
	_ =	sdelay $0x3  }
0x34: {  	[smem:$0x3FB2] =	sst s10  }
0x35: {  	s10 =	sld [smem:$0x3FB1];
	_ =	sdelay $0x3  }
0x36: {  	p1 =	seq.s32 s10, $0x1;
	s10 =	sld [smem:$0x3FB2];
	_ =	sdelay $0x3  }
0x37: {  	[smem:$0x3FB2] =	sst s10  }
0x38: {  	s10 =	sld [smem:$0x3FB3]  }
0x39: {  	_ = 	snop;
	(pc) =	sbr.ind lr, $3  }
0x3a: {  	_ = 	snop  }
0x3b: {  	_ = 	snop  }
0x3c: {  	p2 =	seq.s32 s10, $0x1;
	s10 =	sld [smem:$0x3FB2]  }
0x3d: {  	_ =	shalt  }
0x3e: {  	_ =	shalt  }
0x3f: {  	_ =	shalt  }
0x40: {  	_ =	shalt  }
0x41: {  	_ =	shalt  }
0x42: {  	_ =	shalt  }
0x43: {  	_ =	shalt  }
0x44: {  	_ =	shalt  }
0x45: {  	_ =	shalt  }
0x46: {  	_ =	shalt  }
0x47: {  	_ =	shalt  }
0x48: {  	_ =	shalt  }
0x49: {  	_ =	shalt  }
0x4a: {  	_ =	shalt  }
0x4b: {  	_ =	shalt  }
0x4c: {  	_ =	shalt  }
0x4d: {  	_ =	shalt  }
0x4e: {  	_ =	shalt  }
0x4f: {  	_ =	shalt  }
0x50: {  	_ =	shalt  }
0x51: {  	_ =	shalt  }
0x52: {  	_ =	shalt  }
0x53: {  	_ =	shalt  }
0x54: {  	_ =	shalt  }
0x55: {  	_ =	shalt  }
0x56: {  	_ =	shalt  }
0x57: {  	_ =	shalt  }
0x58: {  	_ =	shalt  }
0x59: {  	_ =	shalt  }
0x5a: {  	_ =	shalt  }
0x5b: {  	_ =	shalt  }
0x5c: {  	_ =	shalt  }
0x5d: {  	_ =	shalt  }
0x5e: {  	_ =	shalt  }
0x5f: {  	_ =	shalt  }
0x60: {  	_ =	shalt  }
0x61: {  	_ =	shalt  }
0x62: {  	_ =	shalt  }
0x63: {  	_ =	shalt  }
0x64: {  	_ =	shalt  }
0x65: {  	_ =	shalt  }
0x66: {  	_ =	shalt  }
0x67: {  	_ =	shalt  }
0x68: {  	_ =	shalt  }
0x69: {  	_ =	shalt  }
0x6a: {  	_ =	shalt  }
0x6b: {  	_ =	shalt  }
0x6c: {  	_ =	shalt  }
0x6d: {  	_ =	shalt  }
0x6e: {  	_ =	shalt  }
0x6f: {  	_ =	shalt  }
0x70: {  	_ =	shalt  }
0x71: {  	_ =	shalt  }
0x72: {  	_ =	shalt  }
0x73: {  	_ =	shalt  }
0x74: {  	_ =	shalt  }
0x75: {  	_ =	shalt  }
0x76: {  	_ =	shalt  }
0x77: {  	_ =	shalt  }
0x78: {  	_ =	shalt  }
0x79: {  	_ =	shalt  }
0x7a: {  	_ =	shalt  }
0x7b: {  	_ =	shalt  }
0x7c: {  	_ =	shalt  }
0x7d: {  	_ =	shalt  }
0x7e: {  	_ =	shalt  }
0x7f: {  	_ =	shalt  }
0x80: {  	_ =	shalt  }
0x81: {  	_ =	shalt  }
0x82: {  	_ =	shalt  }
0x83: {  	_ =	shalt  }
0x84: {  	_ =	shalt  }
0x85: {  	_ =	shalt  }
0x86: {  	_ =	shalt  }
0x87: {  	_ =	shalt  }
.Lfunc_end0:
.L_simem_size_0:
called_computation_lowered:
.L_overlay_start_0:
0x88: {  	s2 =	sld [smem:$0x3FD9]  }
0x89: {  	s3 =	sld [smem:$0x3FFE];
	_ =	sdelay $0x1  }
0x8a: {  	s1 =	srdreg.scid  }
0x8b: {  	s0 =	sand.u32 $0x1, s1  }
0x8c: {  	s17 =	sshll.u32 s0, $0xA;
	s2 =	sadd.s32 s3, s2  }
0x8d: {  	s2 =	sadd.s32 s2, s17  }
0x8e: {  	[smem:$0x3FBE] =	sst s2  }
0x8f: {  	_ = 	snop  }
0x90: {  	(tm) =	ssettm $0x1  }
0x91: {  	s18 =	sld [smem:$0x3FFB];
	_ =	sdelay $0x3  }
0x92: {  	_ =	strace s18  }
0x93: {  	s2 =	sld [smem:$0x3FFC];
	_ =	sdelay $0x3  }
0x94: {  	_ =	strace s2  }
0x95: {  	s2 =	sld [smem:$0x3FFD];
	_ =	sdelay $0x3  }
0x96: {  	_ =	strace s2  }
0x97: {  	_ =	strace $0x8FFFFFFF  }
0x98: {  	s19 =	sld [smem:$0x3FDB];
	_ =	sdelay $0x1  }
0x99: {  	s20 =	simm.s32 $_scs_section_size  }
0x9a: {  	s4 =	simm.s32 $_size__tile_overlayer_lowered;
	s5 =	simm.s32 $_tile_overlayer_lowered  }
0x9b: {  	s6 =	simm.s32 $0x1BFF;
	s21 =	sshll.u32 s5, $0x1;
	s3 =	sadd.s32 s20, s19  }
0x9c: {  	s22 =	simm.s32 $0x0;
	s4 =	sshll.u32 s4, $0x1;
	s5 =	sadd.s32 s21, s3  }
0x9d: {  	[timem:s22], [sflag:s6] =	dma.local [hbm:s5], s4  }
0x9e: {  	_ =	swait.ge [sflag:s6], s4  }
0x9f: {  	s4 =	ssub.s32 $0x0, s4;
	[sflag:s6] =	ssyncset.done $0x0  }
0xa0: {  	[sflag:s6] =	ssyncadd.s32 s4;
	_ =	sdelay $0x1  }
0xa1: {  	s23 =	simm.s32 $0x1B8B  }
0xa2: {  	_ =	swait.ge [sflag:s23], $0x1  }
0xa3: {  	[sflag:s23] =	ssyncset.done $0x0  }
0xa4: {  	[sflag:s23] =	ssyncadd.s32 $0xFFFFFFFF  }
0xa5: {  	s4 =	sld [smem:$0x0]  }
0xa6: {  	s5 =	sand.u32 $0xFFFFFFFE, s1  }
0xa7: {  	p0 =	sne.s32 s1, s5  }
0xa8: {  	s5 =	sshll.u32 @p0 s5, $0xE  }
0xa9: {  	s5 =	sadd.s32 @p0 $0x11B8D, s5;
	s6 =	sshll.u32 @p0 s4, $0x11  }
0xaa: {  	s5 =	sor.u32 @p0 s6, s5  }
0xab: {  	[sflag:s5] =	ssyncadd.remote.s32 @p0 $0x1;
	_ =	sdelay $0x1  }
0xac: {  	s5 =	simm.s32 @p0 $0x1B8D  }
0xad: {  	_ =	swait.eq @p0 [sflag:s5], $0x1  }
0xae: {  	[sflag:s5] =	ssyncadd.s32 @p0 $0xFFFFFFFF  }
0xaf: {  	s6 =	sshll.u32 @!p0 s1, $0xE  }
0xb0: {  	s6 =	sor.u32 @!p0 $0x4000, s6;
	s5 =	simm.s32 @!p0 $0x1B8D  }
0xb1: {  	s4 =	sshll.u32 @!p0 s4, $0x11;
	s6 =	sadd.s32 @!p0 $0x11B8D, s6;
	_ =	swait.eq @!p0 [sflag:s5], $0x1  }
0xb2: {  	s4 =	sor.u32 @!p0 s4, s6;
	[sflag:s5] =	ssyncadd.s32 @!p0 $0xFFFFFFFF  }
0xb3: {  	s25 =	simm.s32 $0x1B8E;
	s24 =	sld [smem:$0x3FFE];
	[sflag:s4] =	ssyncadd.remote.s32 @!p0 $0x1  }
0xb4: {  	s26 =	simm.s32 $execute0_lowered;
	[smem:$0x3FD2] =	sst s25  }
0xb5: {  	s5 =	sshll.u32 s26, $0x1;
	_ =	strace $0x80000049;
	[dreg:$0x1] =	wrdreg $0xFFFFFFFF  }
0xb6: {  	s28 =	simm.s32 $_size_execute0_lowered;
	s3 =	sadd.s32 s3, s5;
	[dreg:$0x0] =	wrdreg $0x0  }
0xb7: {  	s5 =	sshll.u32 s28, $0x1;
	[dreg:$0x2] =	wrdreg s3  }
0xb8: {  	[dreg:$0x3] =	wrdreg s5  }
0xb9: {  	[dreg:$0x4] =	wrdreg $0xC0  }
0xba: {  	_ =	task [dreg:s22], $0x5FFFF  }
0xbb: {  	[dreg:$0x1] =	wrdreg $0xFFFFFFFF  }
0xbc: {  	[dreg:$0x0] =	wrdreg $0x60  }
0xbd: {  	[dreg:$0x2] =	wrdreg s24  }
0xbe: {  	[dreg:$0x3] =	wrdreg $0x0  }
0xbf: {  	[dreg:$0x4] =	wrdreg $0x9  }
0xc0: {  	_ =	task.clear_ibuf [dreg:s22], $0x5FFFF;
	_ =	strace $0x90000049  }
0xc1: {  	s29 =	simm.s32 $0x9;
	_ =	strace $0x8000004B  }
0xc2: {  	_ =	swait.ge [sflag:s29], $0x1  }
0xc3: {  	[sflag:s29] =	ssyncadd.s32 $0xFFFFFFFF  }
0xc4: {  	_ =	strace $0x9000004B  }
0xc5: {  	_ =	sfence  }
0xc6: {  	s30 =	sld [smem:$0x0];
	_ =	sdelay $0x2  }
0xc7: {  	s31 =	sshll.u32 s1, $0xD;
	s1 =	sshrl.u32 s1, $0x2  }
0xc8: {  	s4 =	sand.u32 $0x4000, s31;
	s1 =	sadd.s32 s1, s30  }
0xc9: {  	s0 =	sor.u32 s4, s0;
	s1 =	sshll.u32 s1, $0x11  }
0xca: {  	s0 =	sor.u32 s1, s0  }
0xcb: {  	s0 =	sadd.s32 $0x8F2B, s0  }
0xcc: {  	[sflag:s0] =	ssyncadd.remote.s32 $0x1  }
0xcd: {  	_ =	sfence.sel $0xFFFF  }
0xce: {  	[dreg:$0x0] =	wrdreg $0xFFFFFFFF;
	(pc) =	sbr.abs _section_cstart, $3  }
0xcf: {  	[dreg:$0x1] =	wrdreg $0xFFFFFFFF  }
0xd0: {  	_ =	task.clear_ibuf [dreg:s22], $0x2FFFF;
	_ =	strace $0x9FFFFFFF  }
0xd1: {  	(tm) =	ssettm $0x7FFFFFFF  }
tec
execute0_lowered:
.L_overlay_start_1:
0x0: {  	(tag) =	ssettag $0x1  }
0x1: {  	s7 =	rddreg [dreg:$0x0]  }
0x2: {  	s0 =	srdreg.scid;
	s2 =	rddreg [dreg:$0x1];
	s3 =	simm.s32 $0x0  }
0x3: {  	s13 =	simm.s32 $0x14000;
	s14 =	simm.s32 $0x7D;
	s6 =	sand.u32 $0x1, s0  }
0x4: {  	s15 =	simm.s32 $0x0;
	s0 =	stileid.u32;
	s5 =	smul.u32 $0x140000, s6  }
0x5: {  	[smem:$0x7FF] =	sst s3;
	s1 =	sshll.u32 s6, $0x4;
	s8 =	smul.u32 $0x14000, s0  }
0x6: {  	s10 =	smul.u32 $0x50000, s0;
	s6 =	ssub.s32 $0x2, s6;
	s1 =	sor.u32 s0, s1  }
0x7: {  	s11 =	sshll.u32 s0, $0x6;
	s31 =	sshrl.u32 s6, $0x1;
	s4 =	smul.u32 $0x500, s1  }
0x8: {  	s1 =	rddreg [dreg:$0x2];
	_ =	strace $0x8000004A;
	s5 =	sadd.s32 s8, s5  }
0x9: {  	s10 =	sshrl.u32 s10, $0x2;
	s12 =	ssub.s32 s6, s31;
	s6 =	sor.u32 $0x1C01, s11  }
0xa: {  	s11 =	simm.s32 $0x1;
	s8 =	sshrl.u32 s5, $0x3;
	s5 =	sadd.s32 $0x5EC00, s7  }
0xb: {  	s10 =	sadd.s32 s10, s2;
	s9 =	sadd.s32 s4, s7;
	s4 =	sadd.s32 $0xC400, s7  }
0xc: {  	s8 =	sadd.s32 s8, s7;
	s10 =	sshrl.u32 s10, $0x3;
	s7 =	sadd.s32 $0x2400, s9  }
0xd: {  	s8 =	sadd.s32 $0x5F400, s8;
	s9 =	smax.u32 s12, $0x1;
	s12 =	simm.s32 $0x16800  }
.LBB2_1:
0xe: {  	[spmem:s10], [sflag:s6] =	dma.local [hbm:s4], $0x2800  }
0xf: {  	_ =	swait.ge [sflag:s11], $0x2800  }
0x10: {  	[sflag:s11] =	ssyncset.done $0x0  }
0x11: {  	[sflag:s11] =	ssyncadd.s32 $0xFFFFD800  }
0x12: {  	[tilespmem:s12], [sflag:$0x1] =	stream.linear.gather [hbm4b:s5+s3], $0x3E80, $0x38;
	[tilespmem:$0x1A800] =	vst v63  }
0x13: {  	_ =	swait.ge [sflag:s11], $0x3E80  }
0x14: {  	[sflag:s11] =	ssyncset.done $0x0  }
0x15: {  	[sflag:s11] =	ssyncadd.s32 $0xFFFFC180  }
0x16: {  	[tilespmem:s13], [sflag:$0x1] =	stream.linear.gather [hbm4b:s7+s3], $0x2800, $0x38;
	[tilespmem:$0x1A800] =	vst v63  }
0x17: {  	_ =	swait.ge [sflag:s11], $0x2800  }
0x18: {  	[sflag:s11] =	ssyncset.done $0x0  }
0x19: {  	[sflag:s11] =	ssyncadd.s32 $0xFFFFD800  }
0x1a: {  	s16 =	simm.s32 $0x14000;
	[bflag:$0x0] =	sbarrier.arrive $0xFFFF  }
0x1b: {  	[spmem:s2] =	stream.indirect.scatter.add.f32 [tilespmem:s12], [sflag:$0x1], $0x80, s16, s14, $0xb8;
	[tilespmem:$0x1A800] =	vst v63  }
0x1c: {  	s16 =	simm.s32 $0x200;
	_ =	swait.ge [sflag:s11], $0x3E80  }
.LBB2_2:
0x1d: {  	s17 =	sshra.s32 s16, $0x2;
	[sflag:s11] =	ssyncset.done $0x0;
	p0 =	sne.s32 s16, $0x9E00  }
.Ltmp0:
0x1e: {  	s17 =	sadd.s32 $0x14000, s17;
	[sflag:s11] =	ssyncadd.s32 $0xFFFFC180;
	(pc) =	sbr.rel @p0 .LBB2_2-.Ltmp0, $3  }
0x1f: {  	[spmem:s2] =	stream.indirect.scatter.add.f32 [tilespmem:s12], [sflag:$0x1], $0x80, s17, s14, $0xb8;
	[tilespmem:$0x1A800] =	vst v63  }
0x20: {  	s16 =	sadd.s32 $0x200, s16;
	_ =	sdelay $0x1  }
0x21: {  	_ =	swait.ge [sflag:s11], $0x3E80  }
0x22: {  	[sflag:s11] =	ssyncset.done $0x0;
	s15 =	sadd.s32 $0x1, s15  }
0x23: {  	[sflag:s11] =	ssyncadd.s32 $0xFFFFC180;
	p0 =	sne.s32 s15, s9  }
.Ltmp1:
0x24: {  	[bflag:$0x0] =	sbarrier.arrive $0xFFFF;
	(pc) =	sbr.rel @p0 .LBB2_1-.Ltmp1, $4  }
0x25: {  	[hbm:s8], [sflag:s6] =	dma.local [spmem:s10], $0x2800  }
0x26: {  	_ =	swait.ge [sflag:s11], $0x2800  }
0x27: {  	[sflag:s11] =	ssyncset.done $0x0  }
0x28: {  	[sflag:s11] =	ssyncadd.s32 $0xFFFFD800  }
0x29: {  	_ =	sfence.sel $0x180000  }
0x2a: {  	[bflag:$0x0] =	sbarrier.arrive $0xFFFF  }
0x2b: {  	p0 =	sne.s32 s0, $0x0;
	_ =	strace $0x9000004A  }
0x2c: {  	s0 =	sadd.s32 @!p0 $0x100000, s1;
	[bflag:$0x2] =	sbarrier.arrive $0xFFFF  }
0x2d: {  	[sflag:s0] =	ssyncadd.tile.s32 @!p0 $0x1;
	_ =	shalt  }
.Lfunc_end2:
_tile_overlayer_lowered:
.L_overlay_start_2:
0x2e: {  	(tag) =	ssettag $0x2  }
0x2f: {  	s0 =	rddreg [dreg:$0x0];
	s2 =	stileid.u32  }
0x30: {  	s1 =	rddreg [dreg:$0x1];
	p0 =	sne.s32 s2, $0x0  }
0x31: {  	s3 =	rddreg [dreg:$0x2];
	[bflag:$0x3] =	sbarrier.arrive $0xFFFF;
	s2 =	simm.s32 @!p0 $0x1C01  }
0x32: {  	[timem:s3], [sflag:s2] =	dma.local @!p0 [hbm:s0], s1  }
0x33: {  	s0 =	simm.s32 @!p0 $0x1  }
0x34: {  	_ =	swait.ge @!p0 [sflag:s0], s1  }
0x35: {  	s1 =	ssub.s32 @!p0 $0x0, s1;
	[sflag:s0] =	ssyncset.done @!p0 $0x0  }
0x36: {  	[sflag:s0] =	ssyncadd.s32 @!p0 s1  }
0x37: {  	[bflag:$0x3] =	sbarrier.arrive $0xFFFF  }
0x38: {  	_ =	shalt  }

</sc_bundles>
